<compile_context>
chip_gen: v7x
topology: tpu7x:2x2x1
jax: 0.10.2.dev20260603
libtpu: 0.0.44.dev20260713+nightly
codegen_flags: <defaults>
</compile_context>

<pallas_src>
import functools

import jax
import jax.numpy as jnp
from jax import lax
from jax.experimental import pallas as pl
from jax.experimental.pallas import tpu as pltpu
from jax.experimental.pallas import tpu_sc as plsc

NUM_WORKERS = 32
SPLIT = 128
NBUF = 4
AHEAD = 3


def _make_lookup(b, s, d):
  rows_per_w = b // NUM_WORKERS
  n_iters = rows_per_w // NBUF
  tail = rows_per_w - NBUF * n_iters
  mesh = plsc.VectorSubcoreMesh(core_axis_name="c", subcore_axis_name="s")

  @functools.partial(
      pl.kernel,
      out_type=jax.ShapeDtypeStruct((b, s, d), jnp.float32),
      mesh=mesh,
      scratch_types=[
          pltpu.VMEM((rows_per_w, s), jnp.int32),
          pltpu.VMEM((NBUF, 1, s, d), jnp.float32),
      ]
      + [pltpu.SemaphoreType.DMA] * (2 * NBUF),
  )
  def lookup(idx_hbm, table_hbm, out_hbm, idx_v, rows_v, *sems):
    gsems = sems[:NBUF]
    wsems = sems[NBUF:]
    wid = lax.axis_index("s") * 2 + lax.axis_index("c")
    base = wid * rows_per_w
    pltpu.sync_copy(idx_hbm.at[pl.ds(base, rows_per_w)], idx_v)

    def gathers(r, slot):
      pltpu.async_copy(
          table_hbm.at[idx_v.at[r, pl.ds(0, SPLIT)]],
          rows_v.at[slot, 0, pl.ds(0, SPLIT)],
          gsems[slot],
      )
      pltpu.async_copy(
          table_hbm.at[idx_v.at[r, pl.ds(SPLIT, s - SPLIT)]],
          rows_v.at[slot, 0, pl.ds(SPLIT, s - SPLIT)],
          gsems[slot],
      )

    def wait_gathers(r, slot):
      pltpu.make_async_copy(
          table_hbm.at[idx_v.at[r, pl.ds(0, SPLIT)]],
          rows_v.at[slot, 0, pl.ds(0, SPLIT)],
          gsems[slot],
      ).wait()
      pltpu.make_async_copy(
          table_hbm.at[idx_v.at[r, pl.ds(SPLIT, s - SPLIT)]],
          rows_v.at[slot, 0, pl.ds(SPLIT, s - SPLIT)],
          gsems[slot],
      ).wait()

    def write(r, slot):
      pltpu.async_copy(
          rows_v.at[slot], out_hbm.at[pl.ds(base + r, 1)], wsems[slot]
      )

    def wait_write(r, slot):
      pltpu.make_async_copy(
          rows_v.at[slot], out_hbm.at[pl.ds(base + r, 1)], wsems[slot]
      ).wait()

    for r in range(AHEAD):
      gathers(r, r)

    def step(r, islot):
      g = r + AHEAD
      gslot = (islot + AHEAD) % NBUF

      @pl.when(jnp.logical_and(g >= NBUF, g < rows_per_w))
      def _():
        wait_write(g - NBUF, gslot)

      @pl.when(g < rows_per_w)
      def _():
        gathers(g, gslot)

      wait_gathers(r, islot)
      write(r, islot)

    def body(q, carry):
      r0 = NBUF * q
      for i in range(NBUF):
        step(r0 + i, i)
      return carry

    lax.fori_loop(0, n_iters, body, 0)
    for i in range(tail):
      step(NBUF * n_iters + i, i)
    for i in range(NBUF):
      r_last = rows_per_w - NBUF + i
      wait_write(r_last, (r_last) % NBUF)

  return lookup


def kernel(x, table):
  b, s = x.shape
  v, d = table.shape
  return _make_lookup(b, s, d)(x, table)

# --- scband reference (transcript-rebuilt; emitter-appended) ---
"""Pipeline reference for scband-parallel-embedding-91087666413707 (READ-ONLY COPY).

The authoritative reference and input builder live on the scoring server;
editing this copy changes nothing except your own understanding.
"""

import jax, jax.numpy as jnp
import numpy as np

RANK = 0
WORLD_SIZE = 1
NUM_EMBEDDINGS = 100000
EMBEDDING_DIM = 128
SUB_VOCAB = NUM_EMBEDDINGS // WORLD_SIZE
START_IDX = RANK * SUB_VOCAB
END_IDX = START_IDX + SUB_VOCAB - 1


def setup_inputs(seed: int = 0) -> dict:
    key = jax.random.key(seed)
    k1, k2 = jax.random.split(key)
    x = jax.random.randint(k1, (1024, 200), 0, NUM_EMBEDDINGS, dtype=jnp.int32)
    # nn.Embedding default init: N(0, 1)
    table = jax.random.normal(k2, (SUB_VOCAB, EMBEDDING_DIM), dtype=jnp.float32)
    return {"x": x, "table": table}


def reference(x, table):
    # mask out ids that fall outside this rank's vocab shard
    mask = (x < START_IDX) | (x > END_IDX)
    masked_input = jnp.where(mask, 0, x - START_IDX)
    token = jnp.take(table, masked_input, axis=0)
    token = jnp.where(mask[..., None], 0.0, token)
    # dist.all_reduce(SUM) over world_size=1 is the identity
    return token

if __name__ == "__main__":
    import jax
    _d = setup_inputs()
    print(jax.jit(kernel)(*tuple(_d.values())))

</pallas_src>

<mosaic_0001>
#map = affine_map<(d0, d1) -> (0, 0)>
#map1 = affine_map<(d0, d1) -> (0, 0, 0)>
module attributes {stable_mosaic.version = 14 : i64} {
  func.func @lookup(%arg0: i32, %arg1: i32, %arg2: memref<1024x200xi32, #tpu.memory_space<hbm>>, %arg3: memref<100000x128xf32, #tpu.memory_space<hbm>>, %arg4: memref<1024x200x128xf32, #tpu.memory_space<hbm>>, %arg5: memref<32x200xi32, #tpu.memory_space<vmem>>, %arg6: memref<4x1x200x128xf32, #tpu.memory_space<vmem>>, %arg7: memref<!tpu.dma_semaphore, #tpu.memory_space<semaphore_mem>>, %arg8: memref<!tpu.dma_semaphore, #tpu.memory_space<semaphore_mem>>, %arg9: memref<!tpu.dma_semaphore, #tpu.memory_space<semaphore_mem>>, %arg10: memref<!tpu.dma_semaphore, #tpu.memory_space<semaphore_mem>>, %arg11: memref<!tpu.dma_semaphore, #tpu.memory_space<semaphore_mem>>, %arg12: memref<!tpu.dma_semaphore, #tpu.memory_space<semaphore_mem>>, %arg13: memref<!tpu.dma_semaphore, #tpu.memory_space<semaphore_mem>>, %arg14: memref<!tpu.dma_semaphore, #tpu.memory_space<semaphore_mem>>) attributes {dimension_semantics = [#tpu.dimension_semantics<core_parallel>, #tpu.dimension_semantics<subcore_parallel>], iteration_bounds = array<i64: 2, 16>, scalar_prefetch = 0 : i64, scratch_operands = 10 : i64, tpu.core_type = #tpu.core_type<sc_vector_subcore>, window_params = [{transform_indices = #map}, {transform_indices = #map}, {transform_indices = #map1}]} {
    %mul3A = arith.constant 2 : i32
    %mul3A_0 = arith.muli %arg1, %mul3A : i32
    %add3A = arith.addi %mul3A_0, %arg0 : i32
    %mul3A_1 = arith.constant 32 : i32
    %mul3A_2 = arith.muli %add3A, %mul3A_1 : i32
    "tpu.region"() ({
      %run_scoped3A = tpu.sem_alloc : memref<!tpu.dma_semaphore, #tpu.memory_space<semaphore_mem>>
      %dma_start3A_160 = arith.constant 0 : i32
      %dma_start3A_161 = tpu.memref_slice %arg2[%mul3A_2, %dma_start3A_160] : memref<1024x200xi32, #tpu.memory_space<hbm>> -> memref<32x200xi32, #tpu.memory_space<hbm>>
      %dma_start3A_162 = arith.constant 0 : i32
      %dma_start3A_163 = tpu.memref_slice %arg2[%mul3A_2, %dma_start3A_162] : memref<1024x200xi32, #tpu.memory_space<hbm>> -> memref<32x200xi32, #tpu.memory_space<hbm>>
      tpu.enqueue_dma source(%dma_start3A_163 : memref<32x200xi32, #tpu.memory_space<hbm>>) target(%arg5 : memref<32x200xi32, #tpu.memory_space<vmem>>) target_semaphore(%run_scoped3A : memref<!tpu.dma_semaphore, #tpu.memory_space<semaphore_mem>>)
      %dma_wait3A_164 = arith.constant 0 : i32
      %dma_wait3A_165 = tpu.memref_slice %arg2[%mul3A_2, %dma_wait3A_164] : memref<1024x200xi32, #tpu.memory_space<hbm>> -> memref<32x200xi32, #tpu.memory_space<hbm>>
      %dma_wait3A_166 = arith.constant 0 : i32
      %dma_wait3A_167 = tpu.memref_slice %arg2[%mul3A_2, %dma_wait3A_166] : memref<1024x200xi32, #tpu.memory_space<hbm>> -> memref<32x200xi32, #tpu.memory_space<hbm>>
      tpu.wait_dma2 semaphore(%run_scoped3A : memref<!tpu.dma_semaphore, #tpu.memory_space<semaphore_mem>>) src(%dma_wait3A_167 : memref<32x200xi32, #tpu.memory_space<hbm>>) dst(%arg5 : memref<32x200xi32, #tpu.memory_space<vmem>>)
      tpu.yield
    }) : () -> ()
    %dma_start3A = arith.constant 0 : i32
    %dma_start3A_3 = arith.constant 0 : i32
    %dma_start3A_4 = arith.constant 0 : i32
    %dma_start3A_5 = arith.constant 0 : i32
    %dma_start3A_6 = arith.constant 0 : i32
    %dma_start3A_7 = tpu.memref_slice %arg6[%dma_start3A_3, %dma_start3A_4, %dma_start3A_5, %dma_start3A_6] : memref<4x1x200x128xf32, #tpu.memory_space<vmem>> -> memref<1x1x128x128xf32, #tpu.memory_space<vmem>>
    %dma_start3A_8 = tpu.memref_squeeze %dma_start3A_7 : memref<1x1x128x128xf32, #tpu.memory_space<vmem>> -> memref<128x128xf32, #tpu.memory_space<vmem>>
    %dma_start3A_9 = arith.constant 0 : i32
    %dma_start3A_10 = tpu.memref_slice %arg5[%dma_start3A, %dma_start3A_9] : memref<32x200xi32, #tpu.memory_space<vmem>> -> memref<1x128xi32, #tpu.memory_space<vmem>>
    %dma_start3A_11 = tpu.memref_squeeze %dma_start3A_10 : memref<1x128xi32, #tpu.memory_space<vmem>> -> memref<128xi32, #tpu.memory_space<vmem>>
    %dma_start3A_12 = arith.constant 0 : i32
    %dma_start3A_13 = arith.constant 0 : i32
    %dma_start3A_14 = tpu.memref_slice %arg3[%dma_start3A_12, %dma_start3A_13] : memref<100000x128xf32, #tpu.memory_space<hbm>> -> memref<100000x128xf32, #tpu.memory_space<hbm>>
    tpu.enqueue_indirect_dma source(%dma_start3A_14 : memref<100000x128xf32, #tpu.memory_space<hbm>>) target(%dma_start3A_8 : memref<128x128xf32, #tpu.memory_space<vmem>>) offsets(%dma_start3A_11 : memref<128xi32, #tpu.memory_space<vmem>>) semaphore(%arg7 : memref<!tpu.dma_semaphore, #tpu.memory_space<semaphore_mem>>)
    %dma_start3A_15 = arith.constant 0 : i32
    %dma_start3A_16 = arith.constant 0 : i32
    %dma_start3A_17 = arith.constant 0 : i32
    %dma_start3A_18 = arith.constant 128 : i32
    %dma_start3A_19 = arith.constant 0 : i32
    %dma_start3A_20 = tpu.memref_slice %arg6[%dma_start3A_16, %dma_start3A_17, %dma_start3A_18, %dma_start3A_19] : memref<4x1x200x128xf32, #tpu.memory_space<vmem>> -> memref<1x1x72x128xf32, #tpu.memory_space<vmem>>
    %dma_start3A_21 = tpu.memref_squeeze %dma_start3A_20 : memref<1x1x72x128xf32, #tpu.memory_space<vmem>> -> memref<72x128xf32, #tpu.memory_space<vmem>>
    %dma_start3A_22 = arith.constant 128 : i32
    %dma_start3A_23 = tpu.memref_slice %arg5[%dma_start3A_15, %dma_start3A_22] : memref<32x200xi32, #tpu.memory_space<vmem>> -> memref<1x72xi32, #tpu.memory_space<vmem>>
    %dma_start3A_24 = tpu.memref_squeeze %dma_start3A_23 : memref<1x72xi32, #tpu.memory_space<vmem>> -> memref<72xi32, #tpu.memory_space<vmem>>
    %dma_start3A_25 = arith.constant 0 : i32
    %dma_start3A_26 = arith.constant 0 : i32
    %dma_start3A_27 = tpu.memref_slice %arg3[%dma_start3A_25, %dma_start3A_26] : memref<100000x128xf32, #tpu.memory_space<hbm>> -> memref<100000x128xf32, #tpu.memory_space<hbm>>
    tpu.enqueue_indirect_dma source(%dma_start3A_27 : memref<100000x128xf32, #tpu.memory_space<hbm>>) target(%dma_start3A_21 : memref<72x128xf32, #tpu.memory_space<vmem>>) offsets(%dma_start3A_24 : memref<72xi32, #tpu.memory_space<vmem>>) semaphore(%arg7 : memref<!tpu.dma_semaphore, #tpu.memory_space<semaphore_mem>>)
    %dma_start3A_28 = arith.constant 1 : i32
    %dma_start3A_29 = arith.constant 1 : i32
    %dma_start3A_30 = arith.constant 0 : i32
    %dma_start3A_31 = arith.constant 0 : i32
    %dma_start3A_32 = arith.constant 0 : i32
    %dma_start3A_33 = tpu.memref_slice %arg6[%dma_start3A_29, %dma_start3A_30, %dma_start3A_31, %dma_start3A_32] : memref<4x1x200x128xf32, #tpu.memory_space<vmem>> -> memref<1x1x128x128xf32, #tpu.memory_space<vmem>>
    %dma_start3A_34 = tpu.memref_squeeze %dma_start3A_33 : memref<1x1x128x128xf32, #tpu.memory_space<vmem>> -> memref<128x128xf32, #tpu.memory_space<vmem>>
    %dma_start3A_35 = arith.constant 0 : i32
    %dma_start3A_36 = tpu.memref_slice %arg5[%dma_start3A_28, %dma_start3A_35] : memref<32x200xi32, #tpu.memory_space<vmem>> -> memref<1x128xi32, #tpu.memory_space<vmem>>
    %dma_start3A_37 = tpu.memref_squeeze %dma_start3A_36 : memref<1x128xi32, #tpu.memory_space<vmem>> -> memref<128xi32, #tpu.memory_space<vmem>>
    %dma_start3A_38 = arith.constant 0 : i32
    %dma_start3A_39 = arith.constant 0 : i32
    %dma_start3A_40 = tpu.memref_slice %arg3[%dma_start3A_38, %dma_start3A_39] : memref<100000x128xf32, #tpu.memory_space<hbm>> -> memref<100000x128xf32, #tpu.memory_space<hbm>>
    tpu.enqueue_indirect_dma source(%dma_start3A_40 : memref<100000x128xf32, #tpu.memory_space<hbm>>) target(%dma_start3A_34 : memref<128x128xf32, #tpu.memory_space<vmem>>) offsets(%dma_start3A_37 : memref<128xi32, #tpu.memory_space<vmem>>) semaphore(%arg8 : memref<!tpu.dma_semaphore, #tpu.memory_space<semaphore_mem>>)
    %dma_start3A_41 = arith.constant 1 : i32
    %dma_start3A_42 = arith.constant 1 : i32
    %dma_start3A_43 = arith.constant 0 : i32
    %dma_start3A_44 = arith.constant 128 : i32
    %dma_start3A_45 = arith.constant 0 : i32
    %dma_start3A_46 = tpu.memref_slice %arg6[%dma_start3A_42, %dma_start3A_43, %dma_start3A_44, %dma_start3A_45] : memref<4x1x200x128xf32, #tpu.memory_space<vmem>> -> memref<1x1x72x128xf32, #tpu.memory_space<vmem>>
    %dma_start3A_47 = tpu.memref_squeeze %dma_start3A_46 : memref<1x1x72x128xf32, #tpu.memory_space<vmem>> -> memref<72x128xf32, #tpu.memory_space<vmem>>
    %dma_start3A_48 = arith.constant 128 : i32
    %dma_start3A_49 = tpu.memref_slice %arg5[%dma_start3A_41, %dma_start3A_48] : memref<32x200xi32, #tpu.memory_space<vmem>> -> memref<1x72xi32, #tpu.memory_space<vmem>>
    %dma_start3A_50 = tpu.memref_squeeze %dma_start3A_49 : memref<1x72xi32, #tpu.memory_space<vmem>> -> memref<72xi32, #tpu.memory_space<vmem>>
    %dma_start3A_51 = arith.constant 0 : i32
    %dma_start3A_52 = arith.constant 0 : i32
    %dma_start3A_53 = tpu.memref_slice %arg3[%dma_start3A_51, %dma_start3A_52] : memref<100000x128xf32, #tpu.memory_space<hbm>> -> memref<100000x128xf32, #tpu.memory_space<hbm>>
    tpu.enqueue_indirect_dma source(%dma_start3A_53 : memref<100000x128xf32, #tpu.memory_space<hbm>>) target(%dma_start3A_47 : memref<72x128xf32, #tpu.memory_space<vmem>>) offsets(%dma_start3A_50 : memref<72xi32, #tpu.memory_space<vmem>>) semaphore(%arg8 : memref<!tpu.dma_semaphore, #tpu.memory_space<semaphore_mem>>)
    %dma_start3A_54 = arith.constant 2 : i32
    %dma_start3A_55 = arith.constant 2 : i32
    %dma_start3A_56 = arith.constant 0 : i32
    %dma_start3A_57 = arith.constant 0 : i32
    %dma_start3A_58 = arith.constant 0 : i32
    %dma_start3A_59 = tpu.memref_slice %arg6[%dma_start3A_55, %dma_start3A_56, %dma_start3A_57, %dma_start3A_58] : memref<4x1x200x128xf32, #tpu.memory_space<vmem>> -> memref<1x1x128x128xf32, #tpu.memory_space<vmem>>
    %dma_start3A_60 = tpu.memref_squeeze %dma_start3A_59 : memref<1x1x128x128xf32, #tpu.memory_space<vmem>> -> memref<128x128xf32, #tpu.memory_space<vmem>>
    %dma_start3A_61 = arith.constant 0 : i32
    %dma_start3A_62 = tpu.memref_slice %arg5[%dma_start3A_54, %dma_start3A_61] : memref<32x200xi32, #tpu.memory_space<vmem>> -> memref<1x128xi32, #tpu.memory_space<vmem>>
    %dma_start3A_63 = tpu.memref_squeeze %dma_start3A_62 : memref<1x128xi32, #tpu.memory_space<vmem>> -> memref<128xi32, #tpu.memory_space<vmem>>
    %dma_start3A_64 = arith.constant 0 : i32
    %dma_start3A_65 = arith.constant 0 : i32
    %dma_start3A_66 = tpu.memref_slice %arg3[%dma_start3A_64, %dma_start3A_65] : memref<100000x128xf32, #tpu.memory_space<hbm>> -> memref<100000x128xf32, #tpu.memory_space<hbm>>
    tpu.enqueue_indirect_dma source(%dma_start3A_66 : memref<100000x128xf32, #tpu.memory_space<hbm>>) target(%dma_start3A_60 : memref<128x128xf32, #tpu.memory_space<vmem>>) offsets(%dma_start3A_63 : memref<128xi32, #tpu.memory_space<vmem>>) semaphore(%arg9 : memref<!tpu.dma_semaphore, #tpu.memory_space<semaphore_mem>>)
    %dma_start3A_67 = arith.constant 2 : i32
    %dma_start3A_68 = arith.constant 2 : i32
    %dma_start3A_69 = arith.constant 0 : i32
    %dma_start3A_70 = arith.constant 128 : i32
    %dma_start3A_71 = arith.constant 0 : i32
    %dma_start3A_72 = tpu.memref_slice %arg6[%dma_start3A_68, %dma_start3A_69, %dma_start3A_70, %dma_start3A_71] : memref<4x1x200x128xf32, #tpu.memory_space<vmem>> -> memref<1x1x72x128xf32, #tpu.memory_space<vmem>>
    %dma_start3A_73 = tpu.memref_squeeze %dma_start3A_72 : memref<1x1x72x128xf32, #tpu.memory_space<vmem>> -> memref<72x128xf32, #tpu.memory_space<vmem>>
    %dma_start3A_74 = arith.constant 128 : i32
    %dma_start3A_75 = tpu.memref_slice %arg5[%dma_start3A_67, %dma_start3A_74] : memref<32x200xi32, #tpu.memory_space<vmem>> -> memref<1x72xi32, #tpu.memory_space<vmem>>
    %dma_start3A_76 = tpu.memref_squeeze %dma_start3A_75 : memref<1x72xi32, #tpu.memory_space<vmem>> -> memref<72xi32, #tpu.memory_space<vmem>>
    %dma_start3A_77 = arith.constant 0 : i32
    %dma_start3A_78 = arith.constant 0 : i32
    %dma_start3A_79 = tpu.memref_slice %arg3[%dma_start3A_77, %dma_start3A_78] : memref<100000x128xf32, #tpu.memory_space<hbm>> -> memref<100000x128xf32, #tpu.memory_space<hbm>>
    tpu.enqueue_indirect_dma source(%dma_start3A_79 : memref<100000x128xf32, #tpu.memory_space<hbm>>) target(%dma_start3A_73 : memref<72x128xf32, #tpu.memory_space<vmem>>) offsets(%dma_start3A_76 : memref<72xi32, #tpu.memory_space<vmem>>) semaphore(%arg9 : memref<!tpu.dma_semaphore, #tpu.memory_space<semaphore_mem>>)
    %scan3A = arith.constant 0 : i32
    %scan3A_80 = arith.constant 0 : i32
    %scan3A_81 = arith.constant 8 : i32
    %scan3A_82 = arith.addi %scan3A_80, %scan3A_81 : i32
    %scan3A_83 = arith.constant 1 : i32
    scf.for %scan3A_160 = %scan3A_80 to %scan3A_82 step %scan3A_83  : i32 {
      %mul3A_161 = arith.constant 4 : i32
      %mul3A_162 = arith.muli %mul3A_161, %scan3A_160 : i32
      %add3A_163 = arith.constant 0 : i32
      %add3A_164 = arith.addi %mul3A_162, %add3A_163 : i32
      %add3A_165 = arith.constant 3 : i32
      %add3A_166 = arith.addi %add3A_164, %add3A_165 : i32
      %ge3A = arith.constant 4 : i32
      %ge3A_167 = arith.cmpi sge, %add3A_166, %ge3A : i32
      %lt3A = arith.constant 32 : i32
      %lt3A_168 = arith.cmpi slt, %add3A_166, %lt3A : i32
      %and3A = arith.andi %ge3A_167, %lt3A_168 : i1
      %convert_element_type3A = arith.extui %and3A : i1 to i32
      %cond3A = arith.constant 0 : i32
      %cond3A_169 = arith.cmpi ne, %convert_element_type3A, %cond3A : i32
      scf.if %cond3A_169 {
        %sub3A = arith.constant 4 : i32
        %sub3A_394 = arith.subi %add3A_166, %sub3A : i32
        %add3A_395 = arith.addi %mul3A_2, %sub3A_394 : i32
        %dma_wait3A_396 = arith.constant 3 : i32
        %dma_wait3A_397 = arith.constant 0 : i32
        %dma_wait3A_398 = arith.constant 0 : i32
        %dma_wait3A_399 = arith.constant 0 : i32
        %dma_wait3A_400 = tpu.memref_slice %arg6[%dma_wait3A_396, %dma_wait3A_397, %dma_wait3A_398, %dma_wait3A_399] : memref<4x1x200x128xf32, #tpu.memory_space<vmem>> -> memref<1x1x200x128xf32, #tpu.memory_space<vmem>>
        %dma_wait3A_401 = tpu.memref_squeeze %dma_wait3A_400 : memref<1x1x200x128xf32, #tpu.memory_space<vmem>> -> memref<1x200x128xf32, #tpu.memory_space<vmem>>
        %dma_wait3A_402 = arith.constant 0 : i32
        %dma_wait3A_403 = arith.constant 0 : i32
        %dma_wait3A_404 = tpu.memref_slice %arg4[%add3A_395, %dma_wait3A_402, %dma_wait3A_403] : memref<1024x200x128xf32, #tpu.memory_space<hbm>> -> memref<1x200x128xf32, #tpu.memory_space<hbm>>
        %dma_wait3A_405 = arith.constant 0 : i32
        %dma_wait3A_406 = arith.constant 0 : i32
        %dma_wait3A_407 = tpu.memref_slice %arg4[%add3A_395, %dma_wait3A_405, %dma_wait3A_406] : memref<1024x200x128xf32, #tpu.memory_space<hbm>> -> memref<1x200x128xf32, #tpu.memory_space<hbm>>
        %dma_wait3A_408 = arith.constant 0 : i32
        %dma_wait3A_409 = arith.constant 0 : i32
        %dma_wait3A_410 = arith.constant 0 : i32
        %dma_wait3A_411 = tpu.memref_slice %arg6[%dma_wait3A_396, %dma_wait3A_408, %dma_wait3A_409, %dma_wait3A_410] : memref<4x1x200x128xf32, #tpu.memory_space<vmem>> -> memref<1x1x200x128xf32, #tpu.memory_space<vmem>>
        %dma_wait3A_412 = tpu.memref_squeeze %dma_wait3A_411 : memref<1x1x200x128xf32, #tpu.memory_space<vmem>> -> memref<1x200x128xf32, #tpu.memory_space<vmem>>
        tpu.wait_dma2 semaphore(%arg14 : memref<!tpu.dma_semaphore, #tpu.memory_space<semaphore_mem>>) src(%dma_wait3A_412 : memref<1x200x128xf32, #tpu.memory_space<vmem>>) dst(%dma_wait3A_407 : memref<1x200x128xf32, #tpu.memory_space<hbm>>)
      } else {
      }
      %lt3A_170 = arith.constant 32 : i32
      %lt3A_171 = arith.cmpi slt, %add3A_166, %lt3A_170 : i32
      %convert_element_type3A_172 = arith.extui %lt3A_171 : i1 to i32
      %cond3A_173 = arith.constant 0 : i32
      %cond3A_174 = arith.cmpi ne, %convert_element_type3A_172, %cond3A_173 : i32
      scf.if %cond3A_174 {
        %dma_start3A_394 = arith.constant 3 : i32
        %dma_start3A_395 = arith.constant 0 : i32
        %dma_start3A_396 = arith.constant 0 : i32
        %dma_start3A_397 = arith.constant 0 : i32
        %dma_start3A_398 = tpu.memref_slice %arg6[%dma_start3A_394, %dma_start3A_395, %dma_start3A_396, %dma_start3A_397] : memref<4x1x200x128xf32, #tpu.memory_space<vmem>> -> memref<1x1x128x128xf32, #tpu.memory_space<vmem>>
        %dma_start3A_399 = tpu.memref_squeeze %dma_start3A_398 : memref<1x1x128x128xf32, #tpu.memory_space<vmem>> -> memref<128x128xf32, #tpu.memory_space<vmem>>
        %dma_start3A_400 = arith.constant 0 : i32
        %dma_start3A_401 = tpu.memref_slice %arg5[%add3A_166, %dma_start3A_400] : memref<32x200xi32, #tpu.memory_space<vmem>> -> memref<1x128xi32, #tpu.memory_space<vmem>>
        %dma_start3A_402 = tpu.memref_squeeze %dma_start3A_401 : memref<1x128xi32, #tpu.memory_space<vmem>> -> memref<128xi32, #tpu.memory_space<vmem>>
        %dma_start3A_403 = arith.constant 0 : i32
        %dma_start3A_404 = arith.constant 0 : i32
        %dma_start3A_405 = tpu.memref_slice %arg3[%dma_start3A_403, %dma_start3A_404] : memref<100000x128xf32, #tpu.memory_space<hbm>> -> memref<100000x128xf32, #tpu.memory_space<hbm>>
        tpu.enqueue_indirect_dma source(%dma_start3A_405 : memref<100000x128xf32, #tpu.memory_space<hbm>>) target(%dma_start3A_399 : memref<128x128xf32, #tpu.memory_space<vmem>>) offsets(%dma_start3A_402 : memref<128xi32, #tpu.memory_space<vmem>>) semaphore(%arg10 : memref<!tpu.dma_semaphore, #tpu.memory_space<semaphore_mem>>)
        %dma_start3A_406 = arith.constant 3 : i32
        %dma_start3A_407 = arith.constant 0 : i32
        %dma_start3A_408 = arith.constant 128 : i32
        %dma_start3A_409 = arith.constant 0 : i32
        %dma_start3A_410 = tpu.memref_slice %arg6[%dma_start3A_406, %dma_start3A_407, %dma_start3A_408, %dma_start3A_409] : memref<4x1x200x128xf32, #tpu.memory_space<vmem>> -> memref<1x1x72x128xf32, #tpu.memory_space<vmem>>
        %dma_start3A_411 = tpu.memref_squeeze %dma_start3A_410 : memref<1x1x72x128xf32, #tpu.memory_space<vmem>> -> memref<72x128xf32, #tpu.memory_space<vmem>>
        %dma_start3A_412 = arith.constant 128 : i32
        %dma_start3A_413 = tpu.memref_slice %arg5[%add3A_166, %dma_start3A_412] : memref<32x200xi32, #tpu.memory_space<vmem>> -> memref<1x72xi32, #tpu.memory_space<vmem>>
        %dma_start3A_414 = tpu.memref_squeeze %dma_start3A_413 : memref<1x72xi32, #tpu.memory_space<vmem>> -> memref<72xi32, #tpu.memory_space<vmem>>
        %dma_start3A_415 = arith.constant 0 : i32
        %dma_start3A_416 = arith.constant 0 : i32
        %dma_start3A_417 = tpu.memref_slice %arg3[%dma_start3A_415, %dma_start3A_416] : memref<100000x128xf32, #tpu.memory_space<hbm>> -> memref<100000x128xf32, #tpu.memory_space<hbm>>
        tpu.enqueue_indirect_dma source(%dma_start3A_417 : memref<100000x128xf32, #tpu.memory_space<hbm>>) target(%dma_start3A_411 : memref<72x128xf32, #tpu.memory_space<vmem>>) offsets(%dma_start3A_414 : memref<72xi32, #tpu.memory_space<vmem>>) semaphore(%arg10 : memref<!tpu.dma_semaphore, #tpu.memory_space<semaphore_mem>>)
      } else {
      }
      %dma_wait3A_175 = arith.constant 0 : i32
      %dma_wait3A_176 = arith.constant 0 : i32
      %dma_wait3A_177 = arith.constant 0 : i32
      %dma_wait3A_178 = arith.constant 0 : i32
      %dma_wait3A_179 = tpu.memref_slice %arg6[%dma_wait3A_175, %dma_wait3A_176, %dma_wait3A_177, %dma_wait3A_178] : memref<4x1x200x128xf32, #tpu.memory_space<vmem>> -> memref<1x1x128x128xf32, #tpu.memory_space<vmem>>
      %dma_wait3A_180 = tpu.memref_squeeze %dma_wait3A_179 : memref<1x1x128x128xf32, #tpu.memory_space<vmem>> -> memref<128x128xf32, #tpu.memory_space<vmem>>
      %dma_wait3A_181 = arith.constant 0 : i32
      %dma_wait3A_182 = tpu.memref_slice %arg5[%add3A_164, %dma_wait3A_181] : memref<32x200xi32, #tpu.memory_space<vmem>> -> memref<1x128xi32, #tpu.memory_space<vmem>>
      %dma_wait3A_183 = tpu.memref_squeeze %dma_wait3A_182 : memref<1x128xi32, #tpu.memory_space<vmem>> -> memref<128xi32, #tpu.memory_space<vmem>>
      %dma_wait3A_184 = arith.constant 0 : i32
      %dma_wait3A_185 = arith.constant 0 : i32
      %dma_wait3A_186 = tpu.memref_slice %arg3[%dma_wait3A_184, %dma_wait3A_185] : memref<100000x128xf32, #tpu.memory_space<hbm>> -> memref<100000x128xf32, #tpu.memory_space<hbm>>
      tpu.wait_indirect_dma semaphore(%arg7 : memref<!tpu.dma_semaphore, #tpu.memory_space<semaphore_mem>>) src(%dma_wait3A_186 : memref<100000x128xf32, #tpu.memory_space<hbm>>) dst(%dma_wait3A_180 : memref<128x128xf32, #tpu.memory_space<vmem>>)
      %dma_wait3A_187 = arith.constant 0 : i32
      %dma_wait3A_188 = arith.constant 0 : i32
      %dma_wait3A_189 = arith.constant 128 : i32
      %dma_wait3A_190 = arith.constant 0 : i32
      %dma_wait3A_191 = tpu.memref_slice %arg6[%dma_wait3A_187, %dma_wait3A_188, %dma_wait3A_189, %dma_wait3A_190] : memref<4x1x200x128xf32, #tpu.memory_space<vmem>> -> memref<1x1x72x128xf32, #tpu.memory_space<vmem>>
      %dma_wait3A_192 = tpu.memref_squeeze %dma_wait3A_191 : memref<1x1x72x128xf32, #tpu.memory_space<vmem>> -> memref<72x128xf32, #tpu.memory_space<vmem>>
      %dma_wait3A_193 = arith.constant 128 : i32
      %dma_wait3A_194 = tpu.memref_slice %arg5[%add3A_164, %dma_wait3A_193] : memref<32x200xi32, #tpu.memory_space<vmem>> -> memref<1x72xi32, #tpu.memory_space<vmem>>
      %dma_wait3A_195 = tpu.memref_squeeze %dma_wait3A_194 : memref<1x72xi32, #tpu.memory_space<vmem>> -> memref<72xi32, #tpu.memory_space<vmem>>
      %dma_wait3A_196 = arith.constant 0 : i32
      %dma_wait3A_197 = arith.constant 0 : i32
      %dma_wait3A_198 = tpu.memref_slice %arg3[%dma_wait3A_196, %dma_wait3A_197] : memref<100000x128xf32, #tpu.memory_space<hbm>> -> memref<100000x128xf32, #tpu.memory_space<hbm>>
      tpu.wait_indirect_dma semaphore(%arg7 : memref<!tpu.dma_semaphore, #tpu.memory_space<semaphore_mem>>) src(%dma_wait3A_198 : memref<100000x128xf32, #tpu.memory_space<hbm>>) dst(%dma_wait3A_192 : memref<72x128xf32, #tpu.memory_space<vmem>>)
      %add3A_199 = arith.addi %mul3A_2, %add3A_164 : i32
      %dma_start3A_200 = arith.constant 0 : i32
      %dma_start3A_201 = arith.constant 0 : i32
      %dma_start3A_202 = arith.constant 0 : i32
      %dma_start3A_203 = arith.constant 0 : i32
      %dma_start3A_204 = tpu.memref_slice %arg6[%dma_start3A_200, %dma_start3A_201, %dma_start3A_202, %dma_start3A_203] : memref<4x1x200x128xf32, #tpu.memory_space<vmem>> -> memref<1x1x200x128xf32, #tpu.memory_space<vmem>>
      %dma_start3A_205 = tpu.memref_squeeze %dma_start3A_204 : memref<1x1x200x128xf32, #tpu.memory_space<vmem>> -> memref<1x200x128xf32, #tpu.memory_space<vmem>>
      %dma_start3A_206 = arith.constant 0 : i32
      %dma_start3A_207 = arith.constant 0 : i32
      %dma_start3A_208 = tpu.memref_slice %arg4[%add3A_199, %dma_start3A_206, %dma_start3A_207] : memref<1024x200x128xf32, #tpu.memory_space<hbm>> -> memref<1x200x128xf32, #tpu.memory_space<hbm>>
      %dma_start3A_209 = arith.constant 0 : i32
      %dma_start3A_210 = arith.constant 0 : i32
      %dma_start3A_211 = tpu.memref_slice %arg4[%add3A_199, %dma_start3A_209, %dma_start3A_210] : memref<1024x200x128xf32, #tpu.memory_space<hbm>> -> memref<1x200x128xf32, #tpu.memory_space<hbm>>
      %dma_start3A_212 = arith.constant 0 : i32
      %dma_start3A_213 = arith.constant 0 : i32
      %dma_start3A_214 = arith.constant 0 : i32
      %dma_start3A_215 = tpu.memref_slice %arg6[%dma_start3A_200, %dma_start3A_212, %dma_start3A_213, %dma_start3A_214] : memref<4x1x200x128xf32, #tpu.memory_space<vmem>> -> memref<1x1x200x128xf32, #tpu.memory_space<vmem>>
      %dma_start3A_216 = tpu.memref_squeeze %dma_start3A_215 : memref<1x1x200x128xf32, #tpu.memory_space<vmem>> -> memref<1x200x128xf32, #tpu.memory_space<vmem>>
      tpu.enqueue_dma source(%dma_start3A_216 : memref<1x200x128xf32, #tpu.memory_space<vmem>>) target(%dma_start3A_211 : memref<1x200x128xf32, #tpu.memory_space<hbm>>) target_semaphore(%arg11 : memref<!tpu.dma_semaphore, #tpu.memory_space<semaphore_mem>>)
      %add3A_217 = arith.constant 1 : i32
      %add3A_218 = arith.addi %mul3A_162, %add3A_217 : i32
      %add3A_219 = arith.constant 3 : i32
      %add3A_220 = arith.addi %add3A_218, %add3A_219 : i32
      %ge3A_221 = arith.constant 4 : i32
      %ge3A_222 = arith.cmpi sge, %add3A_220, %ge3A_221 : i32
      %lt3A_223 = arith.constant 32 : i32
      %lt3A_224 = arith.cmpi slt, %add3A_220, %lt3A_223 : i32
      %and3A_225 = arith.andi %ge3A_222, %lt3A_224 : i1
      %convert_element_type3A_226 = arith.extui %and3A_225 : i1 to i32
      %cond3A_227 = arith.constant 0 : i32
      %cond3A_228 = arith.cmpi ne, %convert_element_type3A_226, %cond3A_227 : i32
      scf.if %cond3A_228 {
        %sub3A = arith.constant 4 : i32
        %sub3A_394 = arith.subi %add3A_220, %sub3A : i32
        %add3A_395 = arith.addi %mul3A_2, %sub3A_394 : i32
        %dma_wait3A_396 = arith.constant 0 : i32
        %dma_wait3A_397 = arith.constant 0 : i32
        %dma_wait3A_398 = arith.constant 0 : i32
        %dma_wait3A_399 = arith.constant 0 : i32
        %dma_wait3A_400 = tpu.memref_slice %arg6[%dma_wait3A_396, %dma_wait3A_397, %dma_wait3A_398, %dma_wait3A_399] : memref<4x1x200x128xf32, #tpu.memory_space<vmem>> -> memref<1x1x200x128xf32, #tpu.memory_space<vmem>>
        %dma_wait3A_401 = tpu.memref_squeeze %dma_wait3A_400 : memref<1x1x200x128xf32, #tpu.memory_space<vmem>> -> memref<1x200x128xf32, #tpu.memory_space<vmem>>
        %dma_wait3A_402 = arith.constant 0 : i32
        %dma_wait3A_403 = arith.constant 0 : i32
        %dma_wait3A_404 = tpu.memref_slice %arg4[%add3A_395, %dma_wait3A_402, %dma_wait3A_403] : memref<1024x200x128xf32, #tpu.memory_space<hbm>> -> memref<1x200x128xf32, #tpu.memory_space<hbm>>
        %dma_wait3A_405 = arith.constant 0 : i32
        %dma_wait3A_406 = arith.constant 0 : i32
        %dma_wait3A_407 = tpu.memref_slice %arg4[%add3A_395, %dma_wait3A_405, %dma_wait3A_406] : memref<1024x200x128xf32, #tpu.memory_space<hbm>> -> memref<1x200x128xf32, #tpu.memory_space<hbm>>
        %dma_wait3A_408 = arith.constant 0 : i32
        %dma_wait3A_409 = arith.constant 0 : i32
        %dma_wait3A_410 = arith.constant 0 : i32
        %dma_wait3A_411 = tpu.memref_slice %arg6[%dma_wait3A_396, %dma_wait3A_408, %dma_wait3A_409, %dma_wait3A_410] : memref<4x1x200x128xf32, #tpu.memory_space<vmem>> -> memref<1x1x200x128xf32, #tpu.memory_space<vmem>>
        %dma_wait3A_412 = tpu.memref_squeeze %dma_wait3A_411 : memref<1x1x200x128xf32, #tpu.memory_space<vmem>> -> memref<1x200x128xf32, #tpu.memory_space<vmem>>
        tpu.wait_dma2 semaphore(%arg11 : memref<!tpu.dma_semaphore, #tpu.memory_space<semaphore_mem>>) src(%dma_wait3A_412 : memref<1x200x128xf32, #tpu.memory_space<vmem>>) dst(%dma_wait3A_407 : memref<1x200x128xf32, #tpu.memory_space<hbm>>)
      } else {
      }
      %lt3A_229 = arith.constant 32 : i32
      %lt3A_230 = arith.cmpi slt, %add3A_220, %lt3A_229 : i32
      %convert_element_type3A_231 = arith.extui %lt3A_230 : i1 to i32
      %cond3A_232 = arith.constant 0 : i32
      %cond3A_233 = arith.cmpi ne, %convert_element_type3A_231, %cond3A_232 : i32
      scf.if %cond3A_233 {
        %dma_start3A_394 = arith.constant 0 : i32
        %dma_start3A_395 = arith.constant 0 : i32
        %dma_start3A_396 = arith.constant 0 : i32
        %dma_start3A_397 = arith.constant 0 : i32
        %dma_start3A_398 = tpu.memref_slice %arg6[%dma_start3A_394, %dma_start3A_395, %dma_start3A_396, %dma_start3A_397] : memref<4x1x200x128xf32, #tpu.memory_space<vmem>> -> memref<1x1x128x128xf32, #tpu.memory_space<vmem>>
        %dma_start3A_399 = tpu.memref_squeeze %dma_start3A_398 : memref<1x1x128x128xf32, #tpu.memory_space<vmem>> -> memref<128x128xf32, #tpu.memory_space<vmem>>
        %dma_start3A_400 = arith.constant 0 : i32
        %dma_start3A_401 = tpu.memref_slice %arg5[%add3A_220, %dma_start3A_400] : memref<32x200xi32, #tpu.memory_space<vmem>> -> memref<1x128xi32, #tpu.memory_space<vmem>>
        %dma_start3A_402 = tpu.memref_squeeze %dma_start3A_401 : memref<1x128xi32, #tpu.memory_space<vmem>> -> memref<128xi32, #tpu.memory_space<vmem>>
        %dma_start3A_403 = arith.constant 0 : i32
        %dma_start3A_404 = arith.constant 0 : i32
        %dma_start3A_405 = tpu.memref_slice %arg3[%dma_start3A_403, %dma_start3A_404] : memref<100000x128xf32, #tpu.memory_space<hbm>> -> memref<100000x128xf32, #tpu.memory_space<hbm>>
        tpu.enqueue_indirect_dma source(%dma_start3A_405 : memref<100000x128xf32, #tpu.memory_space<hbm>>) target(%dma_start3A_399 : memref<128x128xf32, #tpu.memory_space<vmem>>) offsets(%dma_start3A_402 : memref<128xi32, #tpu.memory_space<vmem>>) semaphore(%arg7 : memref<!tpu.dma_semaphore, #tpu.memory_space<semaphore_mem>>)
        %dma_start3A_406 = arith.constant 0 : i32
        %dma_start3A_407 = arith.constant 0 : i32
        %dma_start3A_408 = arith.constant 128 : i32
        %dma_start3A_409 = arith.constant 0 : i32
        %dma_start3A_410 = tpu.memref_slice %arg6[%dma_start3A_406, %dma_start3A_407, %dma_start3A_408, %dma_start3A_409] : memref<4x1x200x128xf32, #tpu.memory_space<vmem>> -> memref<1x1x72x128xf32, #tpu.memory_space<vmem>>
        %dma_start3A_411 = tpu.memref_squeeze %dma_start3A_410 : memref<1x1x72x128xf32, #tpu.memory_space<vmem>> -> memref<72x128xf32, #tpu.memory_space<vmem>>
        %dma_start3A_412 = arith.constant 128 : i32
        %dma_start3A_413 = tpu.memref_slice %arg5[%add3A_220, %dma_start3A_412] : memref<32x200xi32, #tpu.memory_space<vmem>> -> memref<1x72xi32, #tpu.memory_space<vmem>>
        %dma_start3A_414 = tpu.memref_squeeze %dma_start3A_413 : memref<1x72xi32, #tpu.memory_space<vmem>> -> memref<72xi32, #tpu.memory_space<vmem>>
        %dma_start3A_415 = arith.constant 0 : i32
        %dma_start3A_416 = arith.constant 0 : i32
        %dma_start3A_417 = tpu.memref_slice %arg3[%dma_start3A_415, %dma_start3A_416] : memref<100000x128xf32, #tpu.memory_space<hbm>> -> memref<100000x128xf32, #tpu.memory_space<hbm>>
        tpu.enqueue_indirect_dma source(%dma_start3A_417 : memref<100000x128xf32, #tpu.memory_space<hbm>>) target(%dma_start3A_411 : memref<72x128xf32, #tpu.memory_space<vmem>>) offsets(%dma_start3A_414 : memref<72xi32, #tpu.memory_space<vmem>>) semaphore(%arg7 : memref<!tpu.dma_semaphore, #tpu.memory_space<semaphore_mem>>)
      } else {
      }
      %dma_wait3A_234 = arith.constant 1 : i32
      %dma_wait3A_235 = arith.constant 0 : i32
      %dma_wait3A_236 = arith.constant 0 : i32
      %dma_wait3A_237 = arith.constant 0 : i32
      %dma_wait3A_238 = tpu.memref_slice %arg6[%dma_wait3A_234, %dma_wait3A_235, %dma_wait3A_236, %dma_wait3A_237] : memref<4x1x200x128xf32, #tpu.memory_space<vmem>> -> memref<1x1x128x128xf32, #tpu.memory_space<vmem>>
      %dma_wait3A_239 = tpu.memref_squeeze %dma_wait3A_238 : memref<1x1x128x128xf32, #tpu.memory_space<vmem>> -> memref<128x128xf32, #tpu.memory_space<vmem>>
      %dma_wait3A_240 = arith.constant 0 : i32
      %dma_wait3A_241 = tpu.memref_slice %arg5[%add3A_218, %dma_wait3A_240] : memref<32x200xi32, #tpu.memory_space<vmem>> -> memref<1x128xi32, #tpu.memory_space<vmem>>
      %dma_wait3A_242 = tpu.memref_squeeze %dma_wait3A_241 : memref<1x128xi32, #tpu.memory_space<vmem>> -> memref<128xi32, #tpu.memory_space<vmem>>
      %dma_wait3A_243 = arith.constant 0 : i32
      %dma_wait3A_244 = arith.constant 0 : i32
      %dma_wait3A_245 = tpu.memref_slice %arg3[%dma_wait3A_243, %dma_wait3A_244] : memref<100000x128xf32, #tpu.memory_space<hbm>> -> memref<100000x128xf32, #tpu.memory_space<hbm>>
      tpu.wait_indirect_dma semaphore(%arg8 : memref<!tpu.dma_semaphore, #tpu.memory_space<semaphore_mem>>) src(%dma_wait3A_245 : memref<100000x128xf32, #tpu.memory_space<hbm>>) dst(%dma_wait3A_239 : memref<128x128xf32, #tpu.memory_space<vmem>>)
      %dma_wait3A_246 = arith.constant 1 : i32
      %dma_wait3A_247 = arith.constant 0 : i32
      %dma_wait3A_248 = arith.constant 128 : i32
      %dma_wait3A_249 = arith.constant 0 : i32
      %dma_wait3A_250 = tpu.memref_slice %arg6[%dma_wait3A_246, %dma_wait3A_247, %dma_wait3A_248, %dma_wait3A_249] : memref<4x1x200x128xf32, #tpu.memory_space<vmem>> -> memref<1x1x72x128xf32, #tpu.memory_space<vmem>>
      %dma_wait3A_251 = tpu.memref_squeeze %dma_wait3A_250 : memref<1x1x72x128xf32, #tpu.memory_space<vmem>> -> memref<72x128xf32, #tpu.memory_space<vmem>>
      %dma_wait3A_252 = arith.constant 128 : i32
      %dma_wait3A_253 = tpu.memref_slice %arg5[%add3A_218, %dma_wait3A_252] : memref<32x200xi32, #tpu.memory_space<vmem>> -> memref<1x72xi32, #tpu.memory_space<vmem>>
      %dma_wait3A_254 = tpu.memref_squeeze %dma_wait3A_253 : memref<1x72xi32, #tpu.memory_space<vmem>> -> memref<72xi32, #tpu.memory_space<vmem>>
      %dma_wait3A_255 = arith.constant 0 : i32
      %dma_wait3A_256 = arith.constant 0 : i32
      %dma_wait3A_257 = tpu.memref_slice %arg3[%dma_wait3A_255, %dma_wait3A_256] : memref<100000x128xf32, #tpu.memory_space<hbm>> -> memref<100000x128xf32, #tpu.memory_space<hbm>>
      tpu.wait_indirect_dma semaphore(%arg8 : memref<!tpu.dma_semaphore, #tpu.memory_space<semaphore_mem>>) src(%dma_wait3A_257 : memref<100000x128xf32, #tpu.memory_space<hbm>>) dst(%dma_wait3A_251 : memref<72x128xf32, #tpu.memory_space<vmem>>)
      %add3A_258 = arith.addi %mul3A_2, %add3A_218 : i32
      %dma_start3A_259 = arith.constant 1 : i32
      %dma_start3A_260 = arith.constant 0 : i32
      %dma_start3A_261 = arith.constant 0 : i32
      %dma_start3A_262 = arith.constant 0 : i32
      %dma_start3A_263 = tpu.memref_slice %arg6[%dma_start3A_259, %dma_start3A_260, %dma_start3A_261, %dma_start3A_262] : memref<4x1x200x128xf32, #tpu.memory_space<vmem>> -> memref<1x1x200x128xf32, #tpu.memory_space<vmem>>
      %dma_start3A_264 = tpu.memref_squeeze %dma_start3A_263 : memref<1x1x200x128xf32, #tpu.memory_space<vmem>> -> memref<1x200x128xf32, #tpu.memory_space<vmem>>
      %dma_start3A_265 = arith.constant 0 : i32
      %dma_start3A_266 = arith.constant 0 : i32
      %dma_start3A_267 = tpu.memref_slice %arg4[%add3A_258, %dma_start3A_265, %dma_start3A_266] : memref<1024x200x128xf32, #tpu.memory_space<hbm>> -> memref<1x200x128xf32, #tpu.memory_space<hbm>>
      %dma_start3A_268 = arith.constant 0 : i32
      %dma_start3A_269 = arith.constant 0 : i32
      %dma_start3A_270 = tpu.memref_slice %arg4[%add3A_258, %dma_start3A_268, %dma_start3A_269] : memref<1024x200x128xf32, #tpu.memory_space<hbm>> -> memref<1x200x128xf32, #tpu.memory_space<hbm>>
      %dma_start3A_271 = arith.constant 0 : i32
      %dma_start3A_272 = arith.constant 0 : i32
      %dma_start3A_273 = arith.constant 0 : i32
      %dma_start3A_274 = tpu.memref_slice %arg6[%dma_start3A_259, %dma_start3A_271, %dma_start3A_272, %dma_start3A_273] : memref<4x1x200x128xf32, #tpu.memory_space<vmem>> -> memref<1x1x200x128xf32, #tpu.memory_space<vmem>>
      %dma_start3A_275 = tpu.memref_squeeze %dma_start3A_274 : memref<1x1x200x128xf32, #tpu.memory_space<vmem>> -> memref<1x200x128xf32, #tpu.memory_space<vmem>>
      tpu.enqueue_dma source(%dma_start3A_275 : memref<1x200x128xf32, #tpu.memory_space<vmem>>) target(%dma_start3A_270 : memref<1x200x128xf32, #tpu.memory_space<hbm>>) target_semaphore(%arg12 : memref<!tpu.dma_semaphore, #tpu.memory_space<semaphore_mem>>)
      %add3A_276 = arith.constant 2 : i32
      %add3A_277 = arith.addi %mul3A_162, %add3A_276 : i32
      %add3A_278 = arith.constant 3 : i32
      %add3A_279 = arith.addi %add3A_277, %add3A_278 : i32
      %ge3A_280 = arith.constant 4 : i32
      %ge3A_281 = arith.cmpi sge, %add3A_279, %ge3A_280 : i32
      %lt3A_282 = arith.constant 32 : i32
      %lt3A_283 = arith.cmpi slt, %add3A_279, %lt3A_282 : i32
      %and3A_284 = arith.andi %ge3A_281, %lt3A_283 : i1
      %convert_element_type3A_285 = arith.extui %and3A_284 : i1 to i32
      %cond3A_286 = arith.constant 0 : i32
      %cond3A_287 = arith.cmpi ne, %convert_element_type3A_285, %cond3A_286 : i32
      scf.if %cond3A_287 {
        %sub3A = arith.constant 4 : i32
        %sub3A_394 = arith.subi %add3A_279, %sub3A : i32
        %add3A_395 = arith.addi %mul3A_2, %sub3A_394 : i32
        %dma_wait3A_396 = arith.constant 1 : i32
        %dma_wait3A_397 = arith.constant 0 : i32
        %dma_wait3A_398 = arith.constant 0 : i32
        %dma_wait3A_399 = arith.constant 0 : i32
        %dma_wait3A_400 = tpu.memref_slice %arg6[%dma_wait3A_396, %dma_wait3A_397, %dma_wait3A_398, %dma_wait3A_399] : memref<4x1x200x128xf32, #tpu.memory_space<vmem>> -> memref<1x1x200x128xf32, #tpu.memory_space<vmem>>
        %dma_wait3A_401 = tpu.memref_squeeze %dma_wait3A_400 : memref<1x1x200x128xf32, #tpu.memory_space<vmem>> -> memref<1x200x128xf32, #tpu.memory_space<vmem>>
        %dma_wait3A_402 = arith.constant 0 : i32
        %dma_wait3A_403 = arith.constant 0 : i32
        %dma_wait3A_404 = tpu.memref_slice %arg4[%add3A_395, %dma_wait3A_402, %dma_wait3A_403] : memref<1024x200x128xf32, #tpu.memory_space<hbm>> -> memref<1x200x128xf32, #tpu.memory_space<hbm>>
        %dma_wait3A_405 = arith.constant 0 : i32
        %dma_wait3A_406 = arith.constant 0 : i32
        %dma_wait3A_407 = tpu.memref_slice %arg4[%add3A_395, %dma_wait3A_405, %dma_wait3A_406] : memref<1024x200x128xf32, #tpu.memory_space<hbm>> -> memref<1x200x128xf32, #tpu.memory_space<hbm>>
        %dma_wait3A_408 = arith.constant 0 : i32
        %dma_wait3A_409 = arith.constant 0 : i32
        %dma_wait3A_410 = arith.constant 0 : i32
        %dma_wait3A_411 = tpu.memref_slice %arg6[%dma_wait3A_396, %dma_wait3A_408, %dma_wait3A_409, %dma_wait3A_410] : memref<4x1x200x128xf32, #tpu.memory_space<vmem>> -> memref<1x1x200x128xf32, #tpu.memory_space<vmem>>
        %dma_wait3A_412 = tpu.memref_squeeze %dma_wait3A_411 : memref<1x1x200x128xf32, #tpu.memory_space<vmem>> -> memref<1x200x128xf32, #tpu.memory_space<vmem>>
        tpu.wait_dma2 semaphore(%arg12 : memref<!tpu.dma_semaphore, #tpu.memory_space<semaphore_mem>>) src(%dma_wait3A_412 : memref<1x200x128xf32, #tpu.memory_space<vmem>>) dst(%dma_wait3A_407 : memref<1x200x128xf32, #tpu.memory_space<hbm>>)
      } else {
      }
      %lt3A_288 = arith.constant 32 : i32
      %lt3A_289 = arith.cmpi slt, %add3A_279, %lt3A_288 : i32
      %convert_element_type3A_290 = arith.extui %lt3A_289 : i1 to i32
      %cond3A_291 = arith.constant 0 : i32
      %cond3A_292 = arith.cmpi ne, %convert_element_type3A_290, %cond3A_291 : i32
      scf.if %cond3A_292 {
        %dma_start3A_394 = arith.constant 1 : i32
        %dma_start3A_395 = arith.constant 0 : i32
        %dma_start3A_396 = arith.constant 0 : i32
        %dma_start3A_397 = arith.constant 0 : i32
        %dma_start3A_398 = tpu.memref_slice %arg6[%dma_start3A_394, %dma_start3A_395, %dma_start3A_396, %dma_start3A_397] : memref<4x1x200x128xf32, #tpu.memory_space<vmem>> -> memref<1x1x128x128xf32, #tpu.memory_space<vmem>>
        %dma_start3A_399 = tpu.memref_squeeze %dma_start3A_398 : memref<1x1x128x128xf32, #tpu.memory_space<vmem>> -> memref<128x128xf32, #tpu.memory_space<vmem>>
        %dma_start3A_400 = arith.constant 0 : i32
        %dma_start3A_401 = tpu.memref_slice %arg5[%add3A_279, %dma_start3A_400] : memref<32x200xi32, #tpu.memory_space<vmem>> -> memref<1x128xi32, #tpu.memory_space<vmem>>
        %dma_start3A_402 = tpu.memref_squeeze %dma_start3A_401 : memref<1x128xi32, #tpu.memory_space<vmem>> -> memref<128xi32, #tpu.memory_space<vmem>>
        %dma_start3A_403 = arith.constant 0 : i32
        %dma_start3A_404 = arith.constant 0 : i32
        %dma_start3A_405 = tpu.memref_slice %arg3[%dma_start3A_403, %dma_start3A_404] : memref<100000x128xf32, #tpu.memory_space<hbm>> -> memref<100000x128xf32, #tpu.memory_space<hbm>>
        tpu.enqueue_indirect_dma source(%dma_start3A_405 : memref<100000x128xf32, #tpu.memory_space<hbm>>) target(%dma_start3A_399 : memref<128x128xf32, #tpu.memory_space<vmem>>) offsets(%dma_start3A_402 : memref<128xi32, #tpu.memory_space<vmem>>) semaphore(%arg8 : memref<!tpu.dma_semaphore, #tpu.memory_space<semaphore_mem>>)
        %dma_start3A_406 = arith.constant 1 : i32
        %dma_start3A_407 = arith.constant 0 : i32
        %dma_start3A_408 = arith.constant 128 : i32
        %dma_start3A_409 = arith.constant 0 : i32
        %dma_start3A_410 = tpu.memref_slice %arg6[%dma_start3A_406, %dma_start3A_407, %dma_start3A_408, %dma_start3A_409] : memref<4x1x200x128xf32, #tpu.memory_space<vmem>> -> memref<1x1x72x128xf32, #tpu.memory_space<vmem>>
        %dma_start3A_411 = tpu.memref_squeeze %dma_start3A_410 : memref<1x1x72x128xf32, #tpu.memory_space<vmem>> -> memref<72x128xf32, #tpu.memory_space<vmem>>
        %dma_start3A_412 = arith.constant 128 : i32
        %dma_start3A_413 = tpu.memref_slice %arg5[%add3A_279, %dma_start3A_412] : memref<32x200xi32, #tpu.memory_space<vmem>> -> memref<1x72xi32, #tpu.memory_space<vmem>>
        %dma_start3A_414 = tpu.memref_squeeze %dma_start3A_413 : memref<1x72xi32, #tpu.memory_space<vmem>> -> memref<72xi32, #tpu.memory_space<vmem>>
        %dma_start3A_415 = arith.constant 0 : i32
        %dma_start3A_416 = arith.constant 0 : i32
        %dma_start3A_417 = tpu.memref_slice %arg3[%dma_start3A_415, %dma_start3A_416] : memref<100000x128xf32, #tpu.memory_space<hbm>> -> memref<100000x128xf32, #tpu.memory_space<hbm>>
        tpu.enqueue_indirect_dma source(%dma_start3A_417 : memref<100000x128xf32, #tpu.memory_space<hbm>>) target(%dma_start3A_411 : memref<72x128xf32, #tpu.memory_space<vmem>>) offsets(%dma_start3A_414 : memref<72xi32, #tpu.memory_space<vmem>>) semaphore(%arg8 : memref<!tpu.dma_semaphore, #tpu.memory_space<semaphore_mem>>)
      } else {
      }
      %dma_wait3A_293 = arith.constant 2 : i32
      %dma_wait3A_294 = arith.constant 0 : i32
      %dma_wait3A_295 = arith.constant 0 : i32
      %dma_wait3A_296 = arith.constant 0 : i32
      %dma_wait3A_297 = tpu.memref_slice %arg6[%dma_wait3A_293, %dma_wait3A_294, %dma_wait3A_295, %dma_wait3A_296] : memref<4x1x200x128xf32, #tpu.memory_space<vmem>> -> memref<1x1x128x128xf32, #tpu.memory_space<vmem>>
      %dma_wait3A_298 = tpu.memref_squeeze %dma_wait3A_297 : memref<1x1x128x128xf32, #tpu.memory_space<vmem>> -> memref<128x128xf32, #tpu.memory_space<vmem>>
      %dma_wait3A_299 = arith.constant 0 : i32
      %dma_wait3A_300 = tpu.memref_slice %arg5[%add3A_277, %dma_wait3A_299] : memref<32x200xi32, #tpu.memory_space<vmem>> -> memref<1x128xi32, #tpu.memory_space<vmem>>
      %dma_wait3A_301 = tpu.memref_squeeze %dma_wait3A_300 : memref<1x128xi32, #tpu.memory_space<vmem>> -> memref<128xi32, #tpu.memory_space<vmem>>
      %dma_wait3A_302 = arith.constant 0 : i32
      %dma_wait3A_303 = arith.constant 0 : i32
      %dma_wait3A_304 = tpu.memref_slice %arg3[%dma_wait3A_302, %dma_wait3A_303] : memref<100000x128xf32, #tpu.memory_space<hbm>> -> memref<100000x128xf32, #tpu.memory_space<hbm>>
      tpu.wait_indirect_dma semaphore(%arg9 : memref<!tpu.dma_semaphore, #tpu.memory_space<semaphore_mem>>) src(%dma_wait3A_304 : memref<100000x128xf32, #tpu.memory_space<hbm>>) dst(%dma_wait3A_298 : memref<128x128xf32, #tpu.memory_space<vmem>>)
      %dma_wait3A_305 = arith.constant 2 : i32
      %dma_wait3A_306 = arith.constant 0 : i32
      %dma_wait3A_307 = arith.constant 128 : i32
      %dma_wait3A_308 = arith.constant 0 : i32
      %dma_wait3A_309 = tpu.memref_slice %arg6[%dma_wait3A_305, %dma_wait3A_306, %dma_wait3A_307, %dma_wait3A_308] : memref<4x1x200x128xf32, #tpu.memory_space<vmem>> -> memref<1x1x72x128xf32, #tpu.memory_space<vmem>>
      %dma_wait3A_310 = tpu.memref_squeeze %dma_wait3A_309 : memref<1x1x72x128xf32, #tpu.memory_space<vmem>> -> memref<72x128xf32, #tpu.memory_space<vmem>>
      %dma_wait3A_311 = arith.constant 128 : i32
      %dma_wait3A_312 = tpu.memref_slice %arg5[%add3A_277, %dma_wait3A_311] : memref<32x200xi32, #tpu.memory_space<vmem>> -> memref<1x72xi32, #tpu.memory_space<vmem>>
      %dma_wait3A_313 = tpu.memref_squeeze %dma_wait3A_312 : memref<1x72xi32, #tpu.memory_space<vmem>> -> memref<72xi32, #tpu.memory_space<vmem>>
      %dma_wait3A_314 = arith.constant 0 : i32
      %dma_wait3A_315 = arith.constant 0 : i32
      %dma_wait3A_316 = tpu.memref_slice %arg3[%dma_wait3A_314, %dma_wait3A_315] : memref<100000x128xf32, #tpu.memory_space<hbm>> -> memref<100000x128xf32, #tpu.memory_space<hbm>>
      tpu.wait_indirect_dma semaphore(%arg9 : memref<!tpu.dma_semaphore, #tpu.memory_space<semaphore_mem>>) src(%dma_wait3A_316 : memref<100000x128xf32, #tpu.memory_space<hbm>>) dst(%dma_wait3A_310 : memref<72x128xf32, #tpu.memory_space<vmem>>)
      %add3A_317 = arith.addi %mul3A_2, %add3A_277 : i32
      %dma_start3A_318 = arith.constant 2 : i32
      %dma_start3A_319 = arith.constant 0 : i32
      %dma_start3A_320 = arith.constant 0 : i32
      %dma_start3A_321 = arith.constant 0 : i32
      %dma_start3A_322 = tpu.memref_slice %arg6[%dma_start3A_318, %dma_start3A_319, %dma_start3A_320, %dma_start3A_321] : memref<4x1x200x128xf32, #tpu.memory_space<vmem>> -> memref<1x1x200x128xf32, #tpu.memory_space<vmem>>
      %dma_start3A_323 = tpu.memref_squeeze %dma_start3A_322 : memref<1x1x200x128xf32, #tpu.memory_space<vmem>> -> memref<1x200x128xf32, #tpu.memory_space<vmem>>
      %dma_start3A_324 = arith.constant 0 : i32
      %dma_start3A_325 = arith.constant 0 : i32
      %dma_start3A_326 = tpu.memref_slice %arg4[%add3A_317, %dma_start3A_324, %dma_start3A_325] : memref<1024x200x128xf32, #tpu.memory_space<hbm>> -> memref<1x200x128xf32, #tpu.memory_space<hbm>>
      %dma_start3A_327 = arith.constant 0 : i32
      %dma_start3A_328 = arith.constant 0 : i32
      %dma_start3A_329 = tpu.memref_slice %arg4[%add3A_317, %dma_start3A_327, %dma_start3A_328] : memref<1024x200x128xf32, #tpu.memory_space<hbm>> -> memref<1x200x128xf32, #tpu.memory_space<hbm>>
      %dma_start3A_330 = arith.constant 0 : i32
      %dma_start3A_331 = arith.constant 0 : i32
      %dma_start3A_332 = arith.constant 0 : i32
      %dma_start3A_333 = tpu.memref_slice %arg6[%dma_start3A_318, %dma_start3A_330, %dma_start3A_331, %dma_start3A_332] : memref<4x1x200x128xf32, #tpu.memory_space<vmem>> -> memref<1x1x200x128xf32, #tpu.memory_space<vmem>>
      %dma_start3A_334 = tpu.memref_squeeze %dma_start3A_333 : memref<1x1x200x128xf32, #tpu.memory_space<vmem>> -> memref<1x200x128xf32, #tpu.memory_space<vmem>>
      tpu.enqueue_dma source(%dma_start3A_334 : memref<1x200x128xf32, #tpu.memory_space<vmem>>) target(%dma_start3A_329 : memref<1x200x128xf32, #tpu.memory_space<hbm>>) target_semaphore(%arg13 : memref<!tpu.dma_semaphore, #tpu.memory_space<semaphore_mem>>)
      %add3A_335 = arith.constant 3 : i32
      %add3A_336 = arith.addi %mul3A_162, %add3A_335 : i32
      %add3A_337 = arith.constant 3 : i32
      %add3A_338 = arith.addi %add3A_336, %add3A_337 : i32
      %ge3A_339 = arith.constant 4 : i32
      %ge3A_340 = arith.cmpi sge, %add3A_338, %ge3A_339 : i32
      %lt3A_341 = arith.constant 32 : i32
      %lt3A_342 = arith.cmpi slt, %add3A_338, %lt3A_341 : i32
      %and3A_343 = arith.andi %ge3A_340, %lt3A_342 : i1
      %convert_element_type3A_344 = arith.extui %and3A_343 : i1 to i32
      %cond3A_345 = arith.constant 0 : i32
      %cond3A_346 = arith.cmpi ne, %convert_element_type3A_344, %cond3A_345 : i32
      scf.if %cond3A_346 {
        %sub3A = arith.constant 4 : i32
        %sub3A_394 = arith.subi %add3A_338, %sub3A : i32
        %add3A_395 = arith.addi %mul3A_2, %sub3A_394 : i32
        %dma_wait3A_396 = arith.constant 2 : i32
        %dma_wait3A_397 = arith.constant 0 : i32
        %dma_wait3A_398 = arith.constant 0 : i32
        %dma_wait3A_399 = arith.constant 0 : i32
        %dma_wait3A_400 = tpu.memref_slice %arg6[%dma_wait3A_396, %dma_wait3A_397, %dma_wait3A_398, %dma_wait3A_399] : memref<4x1x200x128xf32, #tpu.memory_space<vmem>> -> memref<1x1x200x128xf32, #tpu.memory_space<vmem>>
        %dma_wait3A_401 = tpu.memref_squeeze %dma_wait3A_400 : memref<1x1x200x128xf32, #tpu.memory_space<vmem>> -> memref<1x200x128xf32, #tpu.memory_space<vmem>>
        %dma_wait3A_402 = arith.constant 0 : i32
        %dma_wait3A_403 = arith.constant 0 : i32
        %dma_wait3A_404 = tpu.memref_slice %arg4[%add3A_395, %dma_wait3A_402, %dma_wait3A_403] : memref<1024x200x128xf32, #tpu.memory_space<hbm>> -> memref<1x200x128xf32, #tpu.memory_space<hbm>>
        %dma_wait3A_405 = arith.constant 0 : i32
        %dma_wait3A_406 = arith.constant 0 : i32
        %dma_wait3A_407 = tpu.memref_slice %arg4[%add3A_395, %dma_wait3A_405, %dma_wait3A_406] : memref<1024x200x128xf32, #tpu.memory_space<hbm>> -> memref<1x200x128xf32, #tpu.memory_space<hbm>>
        %dma_wait3A_408 = arith.constant 0 : i32
        %dma_wait3A_409 = arith.constant 0 : i32
        %dma_wait3A_410 = arith.constant 0 : i32
        %dma_wait3A_411 = tpu.memref_slice %arg6[%dma_wait3A_396, %dma_wait3A_408, %dma_wait3A_409, %dma_wait3A_410] : memref<4x1x200x128xf32, #tpu.memory_space<vmem>> -> memref<1x1x200x128xf32, #tpu.memory_space<vmem>>
        %dma_wait3A_412 = tpu.memref_squeeze %dma_wait3A_411 : memref<1x1x200x128xf32, #tpu.memory_space<vmem>> -> memref<1x200x128xf32, #tpu.memory_space<vmem>>
        tpu.wait_dma2 semaphore(%arg13 : memref<!tpu.dma_semaphore, #tpu.memory_space<semaphore_mem>>) src(%dma_wait3A_412 : memref<1x200x128xf32, #tpu.memory_space<vmem>>) dst(%dma_wait3A_407 : memref<1x200x128xf32, #tpu.memory_space<hbm>>)
      } else {
      }
      %lt3A_347 = arith.constant 32 : i32
      %lt3A_348 = arith.cmpi slt, %add3A_338, %lt3A_347 : i32
      %convert_element_type3A_349 = arith.extui %lt3A_348 : i1 to i32
      %cond3A_350 = arith.constant 0 : i32
      %cond3A_351 = arith.cmpi ne, %convert_element_type3A_349, %cond3A_350 : i32
      scf.if %cond3A_351 {
        %dma_start3A_394 = arith.constant 2 : i32
        %dma_start3A_395 = arith.constant 0 : i32
        %dma_start3A_396 = arith.constant 0 : i32
        %dma_start3A_397 = arith.constant 0 : i32
        %dma_start3A_398 = tpu.memref_slice %arg6[%dma_start3A_394, %dma_start3A_395, %dma_start3A_396, %dma_start3A_397] : memref<4x1x200x128xf32, #tpu.memory_space<vmem>> -> memref<1x1x128x128xf32, #tpu.memory_space<vmem>>
        %dma_start3A_399 = tpu.memref_squeeze %dma_start3A_398 : memref<1x1x128x128xf32, #tpu.memory_space<vmem>> -> memref<128x128xf32, #tpu.memory_space<vmem>>
        %dma_start3A_400 = arith.constant 0 : i32
        %dma_start3A_401 = tpu.memref_slice %arg5[%add3A_338, %dma_start3A_400] : memref<32x200xi32, #tpu.memory_space<vmem>> -> memref<1x128xi32, #tpu.memory_space<vmem>>
        %dma_start3A_402 = tpu.memref_squeeze %dma_start3A_401 : memref<1x128xi32, #tpu.memory_space<vmem>> -> memref<128xi32, #tpu.memory_space<vmem>>
        %dma_start3A_403 = arith.constant 0 : i32
        %dma_start3A_404 = arith.constant 0 : i32
        %dma_start3A_405 = tpu.memref_slice %arg3[%dma_start3A_403, %dma_start3A_404] : memref<100000x128xf32, #tpu.memory_space<hbm>> -> memref<100000x128xf32, #tpu.memory_space<hbm>>
        tpu.enqueue_indirect_dma source(%dma_start3A_405 : memref<100000x128xf32, #tpu.memory_space<hbm>>) target(%dma_start3A_399 : memref<128x128xf32, #tpu.memory_space<vmem>>) offsets(%dma_start3A_402 : memref<128xi32, #tpu.memory_space<vmem>>) semaphore(%arg9 : memref<!tpu.dma_semaphore, #tpu.memory_space<semaphore_mem>>)
        %dma_start3A_406 = arith.constant 2 : i32
        %dma_start3A_407 = arith.constant 0 : i32
        %dma_start3A_408 = arith.constant 128 : i32
        %dma_start3A_409 = arith.constant 0 : i32
        %dma_start3A_410 = tpu.memref_slice %arg6[%dma_start3A_406, %dma_start3A_407, %dma_start3A_408, %dma_start3A_409] : memref<4x1x200x128xf32, #tpu.memory_space<vmem>> -> memref<1x1x72x128xf32, #tpu.memory_space<vmem>>
        %dma_start3A_411 = tpu.memref_squeeze %dma_start3A_410 : memref<1x1x72x128xf32, #tpu.memory_space<vmem>> -> memref<72x128xf32, #tpu.memory_space<vmem>>
        %dma_start3A_412 = arith.constant 128 : i32
        %dma_start3A_413 = tpu.memref_slice %arg5[%add3A_338, %dma_start3A_412] : memref<32x200xi32, #tpu.memory_space<vmem>> -> memref<1x72xi32, #tpu.memory_space<vmem>>
        %dma_start3A_414 = tpu.memref_squeeze %dma_start3A_413 : memref<1x72xi32, #tpu.memory_space<vmem>> -> memref<72xi32, #tpu.memory_space<vmem>>
        %dma_start3A_415 = arith.constant 0 : i32
        %dma_start3A_416 = arith.constant 0 : i32
        %dma_start3A_417 = tpu.memref_slice %arg3[%dma_start3A_415, %dma_start3A_416] : memref<100000x128xf32, #tpu.memory_space<hbm>> -> memref<100000x128xf32, #tpu.memory_space<hbm>>
        tpu.enqueue_indirect_dma source(%dma_start3A_417 : memref<100000x128xf32, #tpu.memory_space<hbm>>) target(%dma_start3A_411 : memref<72x128xf32, #tpu.memory_space<vmem>>) offsets(%dma_start3A_414 : memref<72xi32, #tpu.memory_space<vmem>>) semaphore(%arg9 : memref<!tpu.dma_semaphore, #tpu.memory_space<semaphore_mem>>)
      } else {
      }
      %dma_wait3A_352 = arith.constant 3 : i32
      %dma_wait3A_353 = arith.constant 0 : i32
      %dma_wait3A_354 = arith.constant 0 : i32
      %dma_wait3A_355 = arith.constant 0 : i32
      %dma_wait3A_356 = tpu.memref_slice %arg6[%dma_wait3A_352, %dma_wait3A_353, %dma_wait3A_354, %dma_wait3A_355] : memref<4x1x200x128xf32, #tpu.memory_space<vmem>> -> memref<1x1x128x128xf32, #tpu.memory_space<vmem>>
      %dma_wait3A_357 = tpu.memref_squeeze %dma_wait3A_356 : memref<1x1x128x128xf32, #tpu.memory_space<vmem>> -> memref<128x128xf32, #tpu.memory_space<vmem>>
      %dma_wait3A_358 = arith.constant 0 : i32
      %dma_wait3A_359 = tpu.memref_slice %arg5[%add3A_336, %dma_wait3A_358] : memref<32x200xi32, #tpu.memory_space<vmem>> -> memref<1x128xi32, #tpu.memory_space<vmem>>
      %dma_wait3A_360 = tpu.memref_squeeze %dma_wait3A_359 : memref<1x128xi32, #tpu.memory_space<vmem>> -> memref<128xi32, #tpu.memory_space<vmem>>
      %dma_wait3A_361 = arith.constant 0 : i32
      %dma_wait3A_362 = arith.constant 0 : i32
      %dma_wait3A_363 = tpu.memref_slice %arg3[%dma_wait3A_361, %dma_wait3A_362] : memref<100000x128xf32, #tpu.memory_space<hbm>> -> memref<100000x128xf32, #tpu.memory_space<hbm>>
      tpu.wait_indirect_dma semaphore(%arg10 : memref<!tpu.dma_semaphore, #tpu.memory_space<semaphore_mem>>) src(%dma_wait3A_363 : memref<100000x128xf32, #tpu.memory_space<hbm>>) dst(%dma_wait3A_357 : memref<128x128xf32, #tpu.memory_space<vmem>>)
      %dma_wait3A_364 = arith.constant 3 : i32
      %dma_wait3A_365 = arith.constant 0 : i32
      %dma_wait3A_366 = arith.constant 128 : i32
      %dma_wait3A_367 = arith.constant 0 : i32
      %dma_wait3A_368 = tpu.memref_slice %arg6[%dma_wait3A_364, %dma_wait3A_365, %dma_wait3A_366, %dma_wait3A_367] : memref<4x1x200x128xf32, #tpu.memory_space<vmem>> -> memref<1x1x72x128xf32, #tpu.memory_space<vmem>>
      %dma_wait3A_369 = tpu.memref_squeeze %dma_wait3A_368 : memref<1x1x72x128xf32, #tpu.memory_space<vmem>> -> memref<72x128xf32, #tpu.memory_space<vmem>>
      %dma_wait3A_370 = arith.constant 128 : i32
      %dma_wait3A_371 = tpu.memref_slice %arg5[%add3A_336, %dma_wait3A_370] : memref<32x200xi32, #tpu.memory_space<vmem>> -> memref<1x72xi32, #tpu.memory_space<vmem>>
      %dma_wait3A_372 = tpu.memref_squeeze %dma_wait3A_371 : memref<1x72xi32, #tpu.memory_space<vmem>> -> memref<72xi32, #tpu.memory_space<vmem>>
      %dma_wait3A_373 = arith.constant 0 : i32
      %dma_wait3A_374 = arith.constant 0 : i32
      %dma_wait3A_375 = tpu.memref_slice %arg3[%dma_wait3A_373, %dma_wait3A_374] : memref<100000x128xf32, #tpu.memory_space<hbm>> -> memref<100000x128xf32, #tpu.memory_space<hbm>>
      tpu.wait_indirect_dma semaphore(%arg10 : memref<!tpu.dma_semaphore, #tpu.memory_space<semaphore_mem>>) src(%dma_wait3A_375 : memref<100000x128xf32, #tpu.memory_space<hbm>>) dst(%dma_wait3A_369 : memref<72x128xf32, #tpu.memory_space<vmem>>)
      %add3A_376 = arith.addi %mul3A_2, %add3A_336 : i32
      %dma_start3A_377 = arith.constant 3 : i32
      %dma_start3A_378 = arith.constant 0 : i32
      %dma_start3A_379 = arith.constant 0 : i32
      %dma_start3A_380 = arith.constant 0 : i32
      %dma_start3A_381 = tpu.memref_slice %arg6[%dma_start3A_377, %dma_start3A_378, %dma_start3A_379, %dma_start3A_380] : memref<4x1x200x128xf32, #tpu.memory_space<vmem>> -> memref<1x1x200x128xf32, #tpu.memory_space<vmem>>
      %dma_start3A_382 = tpu.memref_squeeze %dma_start3A_381 : memref<1x1x200x128xf32, #tpu.memory_space<vmem>> -> memref<1x200x128xf32, #tpu.memory_space<vmem>>
      %dma_start3A_383 = arith.constant 0 : i32
      %dma_start3A_384 = arith.constant 0 : i32
      %dma_start3A_385 = tpu.memref_slice %arg4[%add3A_376, %dma_start3A_383, %dma_start3A_384] : memref<1024x200x128xf32, #tpu.memory_space<hbm>> -> memref<1x200x128xf32, #tpu.memory_space<hbm>>
      %dma_start3A_386 = arith.constant 0 : i32
      %dma_start3A_387 = arith.constant 0 : i32
      %dma_start3A_388 = tpu.memref_slice %arg4[%add3A_376, %dma_start3A_386, %dma_start3A_387] : memref<1024x200x128xf32, #tpu.memory_space<hbm>> -> memref<1x200x128xf32, #tpu.memory_space<hbm>>
      %dma_start3A_389 = arith.constant 0 : i32
      %dma_start3A_390 = arith.constant 0 : i32
      %dma_start3A_391 = arith.constant 0 : i32
      %dma_start3A_392 = tpu.memref_slice %arg6[%dma_start3A_377, %dma_start3A_389, %dma_start3A_390, %dma_start3A_391] : memref<4x1x200x128xf32, #tpu.memory_space<vmem>> -> memref<1x1x200x128xf32, #tpu.memory_space<vmem>>
      %dma_start3A_393 = tpu.memref_squeeze %dma_start3A_392 : memref<1x1x200x128xf32, #tpu.memory_space<vmem>> -> memref<1x200x128xf32, #tpu.memory_space<vmem>>
      tpu.enqueue_dma source(%dma_start3A_393 : memref<1x200x128xf32, #tpu.memory_space<vmem>>) target(%dma_start3A_388 : memref<1x200x128xf32, #tpu.memory_space<hbm>>) target_semaphore(%arg14 : memref<!tpu.dma_semaphore, #tpu.memory_space<semaphore_mem>>)
    }
    %scan3A_84 = arith.constant 8 : i32
    %add3A_85 = arith.constant 28 : i32
    %add3A_86 = arith.addi %mul3A_2, %add3A_85 : i32
    %dma_wait3A = arith.constant 0 : i32
    %dma_wait3A_87 = arith.constant 0 : i32
    %dma_wait3A_88 = arith.constant 0 : i32
    %dma_wait3A_89 = arith.constant 0 : i32
    %dma_wait3A_90 = tpu.memref_slice %arg6[%dma_wait3A, %dma_wait3A_87, %dma_wait3A_88, %dma_wait3A_89] : memref<4x1x200x128xf32, #tpu.memory_space<vmem>> -> memref<1x1x200x128xf32, #tpu.memory_space<vmem>>
    %dma_wait3A_91 = tpu.memref_squeeze %dma_wait3A_90 : memref<1x1x200x128xf32, #tpu.memory_space<vmem>> -> memref<1x200x128xf32, #tpu.memory_space<vmem>>
    %dma_wait3A_92 = arith.constant 0 : i32
    %dma_wait3A_93 = arith.constant 0 : i32
    %dma_wait3A_94 = tpu.memref_slice %arg4[%add3A_86, %dma_wait3A_92, %dma_wait3A_93] : memref<1024x200x128xf32, #tpu.memory_space<hbm>> -> memref<1x200x128xf32, #tpu.memory_space<hbm>>
    %dma_wait3A_95 = arith.constant 0 : i32
    %dma_wait3A_96 = arith.constant 0 : i32
    %dma_wait3A_97 = tpu.memref_slice %arg4[%add3A_86, %dma_wait3A_95, %dma_wait3A_96] : memref<1024x200x128xf32, #tpu.memory_space<hbm>> -> memref<1x200x128xf32, #tpu.memory_space<hbm>>
    %dma_wait3A_98 = arith.constant 0 : i32
    %dma_wait3A_99 = arith.constant 0 : i32
    %dma_wait3A_100 = arith.constant 0 : i32
    %dma_wait3A_101 = tpu.memref_slice %arg6[%dma_wait3A, %dma_wait3A_98, %dma_wait3A_99, %dma_wait3A_100] : memref<4x1x200x128xf32, #tpu.memory_space<vmem>> -> memref<1x1x200x128xf32, #tpu.memory_space<vmem>>
    %dma_wait3A_102 = tpu.memref_squeeze %dma_wait3A_101 : memref<1x1x200x128xf32, #tpu.memory_space<vmem>> -> memref<1x200x128xf32, #tpu.memory_space<vmem>>
    tpu.wait_dma2 semaphore(%arg11 : memref<!tpu.dma_semaphore, #tpu.memory_space<semaphore_mem>>) src(%dma_wait3A_102 : memref<1x200x128xf32, #tpu.memory_space<vmem>>) dst(%dma_wait3A_97 : memref<1x200x128xf32, #tpu.memory_space<hbm>>)
    %add3A_103 = arith.constant 29 : i32
    %add3A_104 = arith.addi %mul3A_2, %add3A_103 : i32
    %dma_wait3A_105 = arith.constant 1 : i32
    %dma_wait3A_106 = arith.constant 0 : i32
    %dma_wait3A_107 = arith.constant 0 : i32
    %dma_wait3A_108 = arith.constant 0 : i32
    %dma_wait3A_109 = tpu.memref_slice %arg6[%dma_wait3A_105, %dma_wait3A_106, %dma_wait3A_107, %dma_wait3A_108] : memref<4x1x200x128xf32, #tpu.memory_space<vmem>> -> memref<1x1x200x128xf32, #tpu.memory_space<vmem>>
    %dma_wait3A_110 = tpu.memref_squeeze %dma_wait3A_109 : memref<1x1x200x128xf32, #tpu.memory_space<vmem>> -> memref<1x200x128xf32, #tpu.memory_space<vmem>>
    %dma_wait3A_111 = arith.constant 0 : i32
    %dma_wait3A_112 = arith.constant 0 : i32
    %dma_wait3A_113 = tpu.memref_slice %arg4[%add3A_104, %dma_wait3A_111, %dma_wait3A_112] : memref<1024x200x128xf32, #tpu.memory_space<hbm>> -> memref<1x200x128xf32, #tpu.memory_space<hbm>>
    %dma_wait3A_114 = arith.constant 0 : i32
    %dma_wait3A_115 = arith.constant 0 : i32
    %dma_wait3A_116 = tpu.memref_slice %arg4[%add3A_104, %dma_wait3A_114, %dma_wait3A_115] : memref<1024x200x128xf32, #tpu.memory_space<hbm>> -> memref<1x200x128xf32, #tpu.memory_space<hbm>>
    %dma_wait3A_117 = arith.constant 0 : i32
    %dma_wait3A_118 = arith.constant 0 : i32
    %dma_wait3A_119 = arith.constant 0 : i32
    %dma_wait3A_120 = tpu.memref_slice %arg6[%dma_wait3A_105, %dma_wait3A_117, %dma_wait3A_118, %dma_wait3A_119] : memref<4x1x200x128xf32, #tpu.memory_space<vmem>> -> memref<1x1x200x128xf32, #tpu.memory_space<vmem>>
    %dma_wait3A_121 = tpu.memref_squeeze %dma_wait3A_120 : memref<1x1x200x128xf32, #tpu.memory_space<vmem>> -> memref<1x200x128xf32, #tpu.memory_space<vmem>>
    tpu.wait_dma2 semaphore(%arg12 : memref<!tpu.dma_semaphore, #tpu.memory_space<semaphore_mem>>) src(%dma_wait3A_121 : memref<1x200x128xf32, #tpu.memory_space<vmem>>) dst(%dma_wait3A_116 : memref<1x200x128xf32, #tpu.memory_space<hbm>>)
    %add3A_122 = arith.constant 30 : i32
    %add3A_123 = arith.addi %mul3A_2, %add3A_122 : i32
    %dma_wait3A_124 = arith.constant 2 : i32
    %dma_wait3A_125 = arith.constant 0 : i32
    %dma_wait3A_126 = arith.constant 0 : i32
    %dma_wait3A_127 = arith.constant 0 : i32
    %dma_wait3A_128 = tpu.memref_slice %arg6[%dma_wait3A_124, %dma_wait3A_125, %dma_wait3A_126, %dma_wait3A_127] : memref<4x1x200x128xf32, #tpu.memory_space<vmem>> -> memref<1x1x200x128xf32, #tpu.memory_space<vmem>>
    %dma_wait3A_129 = tpu.memref_squeeze %dma_wait3A_128 : memref<1x1x200x128xf32, #tpu.memory_space<vmem>> -> memref<1x200x128xf32, #tpu.memory_space<vmem>>
    %dma_wait3A_130 = arith.constant 0 : i32
    %dma_wait3A_131 = arith.constant 0 : i32
    %dma_wait3A_132 = tpu.memref_slice %arg4[%add3A_123, %dma_wait3A_130, %dma_wait3A_131] : memref<1024x200x128xf32, #tpu.memory_space<hbm>> -> memref<1x200x128xf32, #tpu.memory_space<hbm>>
    %dma_wait3A_133 = arith.constant 0 : i32
    %dma_wait3A_134 = arith.constant 0 : i32
    %dma_wait3A_135 = tpu.memref_slice %arg4[%add3A_123, %dma_wait3A_133, %dma_wait3A_134] : memref<1024x200x128xf32, #tpu.memory_space<hbm>> -> memref<1x200x128xf32, #tpu.memory_space<hbm>>
    %dma_wait3A_136 = arith.constant 0 : i32
    %dma_wait3A_137 = arith.constant 0 : i32
    %dma_wait3A_138 = arith.constant 0 : i32
    %dma_wait3A_139 = tpu.memref_slice %arg6[%dma_wait3A_124, %dma_wait3A_136, %dma_wait3A_137, %dma_wait3A_138] : memref<4x1x200x128xf32, #tpu.memory_space<vmem>> -> memref<1x1x200x128xf32, #tpu.memory_space<vmem>>
    %dma_wait3A_140 = tpu.memref_squeeze %dma_wait3A_139 : memref<1x1x200x128xf32, #tpu.memory_space<vmem>> -> memref<1x200x128xf32, #tpu.memory_space<vmem>>
    tpu.wait_dma2 semaphore(%arg13 : memref<!tpu.dma_semaphore, #tpu.memory_space<semaphore_mem>>) src(%dma_wait3A_140 : memref<1x200x128xf32, #tpu.memory_space<vmem>>) dst(%dma_wait3A_135 : memref<1x200x128xf32, #tpu.memory_space<hbm>>)
    %add3A_141 = arith.constant 31 : i32
    %add3A_142 = arith.addi %mul3A_2, %add3A_141 : i32
    %dma_wait3A_143 = arith.constant 3 : i32
    %dma_wait3A_144 = arith.constant 0 : i32
    %dma_wait3A_145 = arith.constant 0 : i32
    %dma_wait3A_146 = arith.constant 0 : i32
    %dma_wait3A_147 = tpu.memref_slice %arg6[%dma_wait3A_143, %dma_wait3A_144, %dma_wait3A_145, %dma_wait3A_146] : memref<4x1x200x128xf32, #tpu.memory_space<vmem>> -> memref<1x1x200x128xf32, #tpu.memory_space<vmem>>
    %dma_wait3A_148 = tpu.memref_squeeze %dma_wait3A_147 : memref<1x1x200x128xf32, #tpu.memory_space<vmem>> -> memref<1x200x128xf32, #tpu.memory_space<vmem>>
    %dma_wait3A_149 = arith.constant 0 : i32
    %dma_wait3A_150 = arith.constant 0 : i32
    %dma_wait3A_151 = tpu.memref_slice %arg4[%add3A_142, %dma_wait3A_149, %dma_wait3A_150] : memref<1024x200x128xf32, #tpu.memory_space<hbm>> -> memref<1x200x128xf32, #tpu.memory_space<hbm>>
    %dma_wait3A_152 = arith.constant 0 : i32
    %dma_wait3A_153 = arith.constant 0 : i32
    %dma_wait3A_154 = tpu.memref_slice %arg4[%add3A_142, %dma_wait3A_152, %dma_wait3A_153] : memref<1024x200x128xf32, #tpu.memory_space<hbm>> -> memref<1x200x128xf32, #tpu.memory_space<hbm>>
    %dma_wait3A_155 = arith.constant 0 : i32
    %dma_wait3A_156 = arith.constant 0 : i32
    %dma_wait3A_157 = arith.constant 0 : i32
    %dma_wait3A_158 = tpu.memref_slice %arg6[%dma_wait3A_143, %dma_wait3A_155, %dma_wait3A_156, %dma_wait3A_157] : memref<4x1x200x128xf32, #tpu.memory_space<vmem>> -> memref<1x1x200x128xf32, #tpu.memory_space<vmem>>
    %dma_wait3A_159 = tpu.memref_squeeze %dma_wait3A_158 : memref<1x1x200x128xf32, #tpu.memory_space<vmem>> -> memref<1x200x128xf32, #tpu.memory_space<vmem>>
    tpu.wait_dma2 semaphore(%arg14 : memref<!tpu.dma_semaphore, #tpu.memory_space<semaphore_mem>>) src(%dma_wait3A_159 : memref<1x200x128xf32, #tpu.memory_space<vmem>>) dst(%dma_wait3A_154 : memref<1x200x128xf32, #tpu.memory_space<hbm>>)
    return
  }
}

</mosaic_0001>

<sc_bundles>
// kernel: kernel.3.cloned.1.call-start
scs
__scs_entry_jumppad:
0x0: {  	(pc) =	sbr.rel $0x88, $3  }
0x1: {  	(tag) =	ssettag $0x0;
	lr =	simm.s32 $0x1  }
0x2: {  	[smem:$0x3F9F] =	sst lr;
	_ =	strace $0xD0000000  }
0x3: {  	_ = 	snop  }
0x4: {  	_ = 	snop  }
0x5: {  	_ = 	snop  }
0x6: {  	_ = 	snop  }
0x7: {  	_ = 	snop  }
__scs_overlays_trampoline_lowered:
0x8: {  	[smem:$0x3FAE] =	sst s0  }
0x9: {  	[smem:$0x3FAF] =	sst s1  }
0xa: {  	[smem:$0x3FB0] =	sst s2  }
0xb: {  	[smem:$0x3FB1] =	sst s3  }
0xc: {  	[smem:$0x3FB2] =	sst s4  }
0xd: {  	[smem:$0x3FB3] =	sst s5  }
0xe: {  	[smem:$0x3FB4] =	sst s6  }
0xf: {  	[smem:$0x3FB5] =	sst s7  }
0x10: {  	[smem:$0x3FB6] =	sst s8  }
0x11: {  	[smem:$0x3FB7] =	sst s9;
	s0 =	simm.s32 @!p0 $0x0  }
0x12: {  	s1 =	sld [smem:$0x3F9D];
	s0 =	simm.s32 @p0 $0x1  }
0x13: {  	[smem:$0x3FB8] =	sst s0;
	s0 =	simm.s32 @!p1 $0x0  }
0x14: {  	s2 =	sld [smem:$0x3F9C];
	s0 =	simm.s32 @p1 $0x1  }
0x15: {  	[smem:$0x3FB9] =	sst s0;
	s0 =	simm.s32 @!p2 $0x0  }
0x16: {  	s3 =	sld [smem:$0x3FDB];
	s0 =	simm.s32 @p2 $0x1  }
0x17: {  	s4 =	simm.s32 $0x1BF5;
	[smem:$0x3FBB] =	sst s0  }
0x18: {  	s0 =	sld [smem:$0x3F9E];
	_ =	swait.ge [sflag:s4], $0x0  }
0x19: {  	s7 =	sld [smem:$0x3F9F]  }
0x1a: {  	s8 =	sadd.s32 $0xFFFFE003, lr  }
0x1b: {  	s9 =	sadd.s32 $0xFFFFFEF7, lr;
	s5 =	simm.s32 $0xFFFFFFFF;
	p2 =	slt.u32 s8, $0xFFFFF086  }
0x1c: {  	p1 =	slt.u32 s9, $0xF7A;
	s5 =	simm.s32 @!p2 $0x0  }
0x1d: {  	s5 =	simm.s32 @p1 $0x1;
	p0 =	seq.s32 s7, s2  }
0x1e: {  	s7 =	smul.u32 @!p0 $0xF7A, s2;
	p2 =	seq.s32 @!p0 s5, $0x0  }
0x1f: {  	s9 =	smul.u32 $0xF7A, s1;
	s8 =	simm.s32 @!p0 $0x1BF5;
	p2 =	por !p2, p0  }
0x20: {  	[sflag:s8] =	ssyncset.s32 @!p0 $0xFFFFF086;
	s6 =	sadd.s32 @!p0 s3, s7;
	s7 =	simm.s32 @!p0 $0x108  }
0x21: {  	s3 =	sadd.s32 s3, s9;
	s6 =	sadd.s32 @!p0 $0x88, s6;
	s7 =	simm.s32 @p2 $0x1082  }
0x22: {  	[simem:s7], [sflag:s8] =	dma.local @!p0 [hbm:s6], $0xF7A  }
0x23: {  	s9 =	sor.u32 $0xD0000000, s2;
	s6 =	simm.s32 $0x108;
	_ =	swait.ge @!p0 [sflag:s8], $0x0  }
0x24: {  	s3 =	sadd.s32 $0x88, s3;
	s6 =	simm.s32 @!p1 $0x1082;
	[sflag:s4] =	ssyncset.s32 $0xFFFFF086  }
0x25: {  	[simem:s6], [sflag:s4] =	dma.local [hbm:s3], $0xF7A  }
0x26: {  	[smem:$0x3F9F] =	sst s1;
	(tag) =	ssettag s2;
	_ =	strace s9  }
0x27: {  	s1 =	sld [smem:$0x3FAF]  }
0x28: {  	s2 =	sld [smem:$0x3FB0]  }
0x29: {  	s4 =	sld [smem:$0x3FB2]  }
0x2a: {  	p0 =	seq.s32 s5, $0x0;
	s5 =	sld [smem:$0x3FB3]  }
0x2b: {  	s6 =	sld [smem:$0x3FB4]  }
0x2c: {  	s7 =	sld [smem:$0x3FB5]  }
0x2d: {  	s3 =	simm.s32 $0x108;
	s8 =	sld [smem:$0x3FB6]  }
0x2e: {  	s3 =	simm.s32 @!p0 $0x1082;
	s9 =	sld [smem:$0x3FB7]  }
0x2f: {  	lr =	sadd.s32 s0, s3;
	s0 =	sld [smem:$0x3FAE]  }
0x30: {  	s3 =	sld [smem:$0x3FB1]  }
0x31: {  	[smem:$0x3FBA] =	sst s10  }
0x32: {  	s10 =	sld [smem:$0x3FB8];
	_ =	sdelay $0x3  }
0x33: {  	p0 =	seq.s32 s10, $0x1;
	s10 =	sld [smem:$0x3FBA];
	_ =	sdelay $0x3  }
0x34: {  	[smem:$0x3FBA] =	sst s10  }
0x35: {  	s10 =	sld [smem:$0x3FB9];
	_ =	sdelay $0x3  }
0x36: {  	p1 =	seq.s32 s10, $0x1;
	s10 =	sld [smem:$0x3FBA];
	_ =	sdelay $0x3  }
0x37: {  	[smem:$0x3FBA] =	sst s10  }
0x38: {  	s10 =	sld [smem:$0x3FBB]  }
0x39: {  	_ = 	snop;
	(pc) =	sbr.ind lr, $3  }
0x3a: {  	_ = 	snop  }
0x3b: {  	_ = 	snop  }
0x3c: {  	p2 =	seq.s32 s10, $0x1;
	s10 =	sld [smem:$0x3FBA]  }
0x3d: {  	_ =	shalt  }
0x3e: {  	_ =	shalt  }
0x3f: {  	_ =	shalt  }
0x40: {  	_ =	shalt  }
0x41: {  	_ =	shalt  }
0x42: {  	_ =	shalt  }
0x43: {  	_ =	shalt  }
0x44: {  	_ =	shalt  }
0x45: {  	_ =	shalt  }
0x46: {  	_ =	shalt  }
0x47: {  	_ =	shalt  }
0x48: {  	_ =	shalt  }
0x49: {  	_ =	shalt  }
0x4a: {  	_ =	shalt  }
0x4b: {  	_ =	shalt  }
0x4c: {  	_ =	shalt  }
0x4d: {  	_ =	shalt  }
0x4e: {  	_ =	shalt  }
0x4f: {  	_ =	shalt  }
0x50: {  	_ =	shalt  }
0x51: {  	_ =	shalt  }
0x52: {  	_ =	shalt  }
0x53: {  	_ =	shalt  }
0x54: {  	_ =	shalt  }
0x55: {  	_ =	shalt  }
0x56: {  	_ =	shalt  }
0x57: {  	_ =	shalt  }
0x58: {  	_ =	shalt  }
0x59: {  	_ =	shalt  }
0x5a: {  	_ =	shalt  }
0x5b: {  	_ =	shalt  }
0x5c: {  	_ =	shalt  }
0x5d: {  	_ =	shalt  }
0x5e: {  	_ =	shalt  }
0x5f: {  	_ =	shalt  }
0x60: {  	_ =	shalt  }
0x61: {  	_ =	shalt  }
0x62: {  	_ =	shalt  }
0x63: {  	_ =	shalt  }
0x64: {  	_ =	shalt  }
0x65: {  	_ =	shalt  }
0x66: {  	_ =	shalt  }
0x67: {  	_ =	shalt  }
0x68: {  	_ =	shalt  }
0x69: {  	_ =	shalt  }
0x6a: {  	_ =	shalt  }
0x6b: {  	_ =	shalt  }
0x6c: {  	_ =	shalt  }
0x6d: {  	_ =	shalt  }
0x6e: {  	_ =	shalt  }
0x6f: {  	_ =	shalt  }
0x70: {  	_ =	shalt  }
0x71: {  	_ =	shalt  }
0x72: {  	_ =	shalt  }
0x73: {  	_ =	shalt  }
0x74: {  	_ =	shalt  }
0x75: {  	_ =	shalt  }
0x76: {  	_ =	shalt  }
0x77: {  	_ =	shalt  }
0x78: {  	_ =	shalt  }
0x79: {  	_ =	shalt  }
0x7a: {  	_ =	shalt  }
0x7b: {  	_ =	shalt  }
0x7c: {  	_ =	shalt  }
0x7d: {  	_ =	shalt  }
0x7e: {  	_ =	shalt  }
0x7f: {  	_ =	shalt  }
0x80: {  	_ =	shalt  }
0x81: {  	_ =	shalt  }
0x82: {  	_ =	shalt  }
0x83: {  	_ =	shalt  }
0x84: {  	_ =	shalt  }
0x85: {  	_ =	shalt  }
0x86: {  	_ =	shalt  }
0x87: {  	_ =	shalt  }
.Lfunc_end0:
.L_simem_size_0:
called_computation_lowered:
.L_overlay_start_0:
0x88: {  	s2 =	sld [smem:$0x3FD9]  }
0x89: {  	s3 =	sld [smem:$0x3FFE];
	_ =	sdelay $0x1  }
0x8a: {  	s1 =	srdreg.scid  }
0x8b: {  	s0 =	sand.u32 $0x1, s1  }
0x8c: {  	s17 =	sshll.u32 s0, $0xA;
	s2 =	sadd.s32 s3, s2  }
0x8d: {  	s2 =	sadd.s32 s2, s17  }
0x8e: {  	[smem:$0x3FC6] =	sst s2  }
0x8f: {  	_ = 	snop  }
0x90: {  	s2 =	sld [smem:$0x3FC8]  }
0x91: {  	s18 =	sld [smem:$0x3FD0];
	(tm) =	ssettm $0x1  }
0x92: {  	s4 =	sld [smem:$0x3FFB];
	_ =	sdelay $0x3  }
0x93: {  	_ =	strace s4  }
0x94: {  	s4 =	sld [smem:$0x3FFC];
	_ =	sdelay $0x3  }
0x95: {  	_ =	strace s4  }
0x96: {  	s4 =	sld [smem:$0x3FFD];
	_ =	sdelay $0x3  }
0x97: {  	_ =	strace s4  }
0x98: {  	_ =	strace $0x8FFFFFFF  }
0x99: {  	s19 =	sld [smem:$0x3FDB];
	_ =	sdelay $0x1  }
0x9a: {  	s5 =	simm.s32 $_scs_section_size  }
0x9b: {  	s6 =	simm.s32 $_size__tile_overlayer_lowered;
	s7 =	simm.s32 $_tile_overlayer_lowered  }
0x9c: {  	s22 =	simm.s32 $0x1BFF;
	s21 =	sshll.u32 s7, $0x1;
	s4 =	sadd.s32 s5, s19  }
0x9d: {  	s8 =	simm.s32 $0x0;
	s20 =	sshll.u32 s6, $0x1;
	s6 =	sadd.s32 s21, s4  }
0x9e: {  	[timem:s8], [sflag:s22] =	dma.local [hbm:s6], s20  }
0x9f: {  	_ =	swait.ge [sflag:s22], s20  }
0xa0: {  	s5 =	ssub.s32 $0x0, s20;
	[sflag:s22] =	ssyncset.done $0x0  }
0xa1: {  	[sflag:s22] =	ssyncadd.s32 s5;
	_ =	sdelay $0x1  }
0xa2: {  	s23 =	simm.s32 $0x1B8B  }
0xa3: {  	_ =	swait.ge [sflag:s23], $0x1  }
0xa4: {  	[sflag:s23] =	ssyncset.done $0x0  }
0xa5: {  	s25 =	simm.s32 $0x1B8E;
	s24 =	sld [smem:$0x3FFE];
	[sflag:s23] =	ssyncadd.s32 $0xFFFFFFFF  }
0xa6: {  	s26 =	simm.s32 $execute0_lowered;
	[smem:$0x3FD2] =	sst s25  }
0xa7: {  	s6 =	sshll.u32 s26, $0x1;
	_ =	strace $0x80000046;
	[dreg:$0x1] =	wrdreg $0xFFFFFFFF  }
0xa8: {  	s28 =	simm.s32 $_size_execute0_lowered;
	s4 =	sadd.s32 s4, s6;
	[dreg:$0x0] =	wrdreg $0x0  }
0xa9: {  	s6 =	sshll.u32 s28, $0x1;
	[dreg:$0x2] =	wrdreg s4  }
0xaa: {  	[dreg:$0x3] =	wrdreg s6  }
0xab: {  	[dreg:$0x4] =	wrdreg $0xC0  }
0xac: {  	_ =	task [dreg:s8], $0x5FFFF  }
0xad: {  	[dreg:$0x1] =	wrdreg $0xFFFFFFFF  }
0xae: {  	[dreg:$0x0] =	wrdreg $0x60  }
0xaf: {  	[dreg:$0x2] =	wrdreg s24  }
0xb0: {  	[dreg:$0x3] =	wrdreg s2  }
0xb1: {  	[dreg:$0x4] =	wrdreg s18  }
0xb2: {  	[dreg:$0x5] =	wrdreg $0x9  }
0xb3: {  	_ =	task.clear_ibuf [dreg:s8], $0x6FFFF;
	_ =	strace $0x90000046  }
0xb4: {  	s29 =	simm.s32 $0x9;
	_ =	strace $0x80000048  }
0xb5: {  	_ =	swait.ge [sflag:s29], $0x1  }
0xb6: {  	[sflag:s29] =	ssyncadd.s32 $0xFFFFFFFF  }
0xb7: {  	_ =	strace $0x90000048  }
0xb8: {  	_ =	sfence  }
0xb9: {  	s30 =	sld [smem:$0x0];
	_ =	sdelay $0x2  }
0xba: {  	s31 =	sshll.u32 s1, $0xD;
	s1 =	sshrl.u32 s1, $0x2  }
0xbb: {  	s3 =	sand.u32 $0x4000, s31;
	s1 =	sadd.s32 s1, s30  }
0xbc: {  	s0 =	sor.u32 s3, s0;
	s1 =	sshll.u32 s1, $0x11  }
0xbd: {  	s0 =	sor.u32 s1, s0  }
0xbe: {  	s0 =	sadd.s32 $0x8F2B, s0  }
0xbf: {  	[sflag:s0] =	ssyncadd.remote.s32 $0x1  }
0xc0: {  	_ =	sfence.sel $0xFFFF  }
0xc1: {  	[dreg:$0x0] =	wrdreg $0xFFFFFFFF;
	(pc) =	sbr.abs _section_cstart, $3  }
0xc2: {  	[dreg:$0x1] =	wrdreg $0xFFFFFFFF  }
0xc3: {  	_ =	task.clear_ibuf [dreg:s8], $0x2FFFF;
	_ =	strace $0x9FFFFFFF  }
0xc4: {  	(tm) =	ssettm $0x7FFFFFFF  }
0xc5: {  	_ =	shalt  }
tec
execute0_lowered:
.L_overlay_start_1:
0x0: {  	(tag) =	ssettag $0x1  }
0x1: {  	s0 =	rddreg [dreg:$0x0]  }
0x2: {  	s1 =	rddreg [dreg:$0x1]  }
0x3: {  	s2 =	rddreg [dreg:$0x2];
	s3 =	simm.s32 $0x0  }
0x4: {  	s4 =	srdreg.scid;
	s7 =	stileid.u32;
	s8 =	simm.s32 $0x80  }
0x5: {  	s9 =	simm.s32 $0x2000;
	s10 =	simm.s32 $0x48;
	s13 =	simm.s32 $0x8400  }
0x6: {  	s17 =	simm.s32 $0xE800;
	s20 =	simm.s32 $0x1;
	s21 =	simm.s32 $0x14C00  }
0x7: {  	s31 =	simm.s32 $0x18C00;
	s22 =	simm.s32 $0x2;
	s28 =	simm.s32 $0x7  }
0x8: {  	s29 =	simm.s32 $0x8;
	s30 =	simm.s32 $0x0;
	[smem:$0x7FF] =	sst s3  }
0x9: {  	s4 =	sand.u32 $0x1, s4;
	s5 =	sshll.u32 s7, $0xB;
	s7 =	smul.u32 $0x32000, s7  }
0xa: {  	_ =	strace $0x80000047;
	s6 =	sshll.u32 s4, $0xA;
	s23 =	ssub.s32 $0x2, s4  }
0xb: {  	s4 =	smul.u32 $0x19000, s4;
	[dreg:$0x4] =	wrdreg s31;
	s5 =	sor.u32 s6, s5  }
0xc: {  	s24 =	sshrl.u32 s23, $0x1;
	s25 =	sadd.s32 s7, s2;
	s0 =	sadd.s32 s5, s0  }
0xd: {  	s5 =	ssub.s32 s23, s24;
	s6 =	sadd.s32 s4, s25;
	s0 =	sadd.s32 $0x400, s0  }
0xe: {  	s23 =	simm.s32 $0x3;
	s26 =	smax.u32 s5, $0x1;
	[dreg:$0x5] =	wrdreg s0  }
0xf: {  	s24 =	simm.s32 $0x4;
	[dreg:$0x6] =	wrdreg s26;
	s26 =	simm.s32 $0x6  }
.LBB2_1:
0x10: {  	s0 =	rddreg [dreg:$0x5];
	s4 =	simm.s32 $0x9  }
0x11: {  	[tilespmem:s3], [sflag:$0x9] =	stream.linear.gather [hbm4b:s0+s3], $0x2000, $0x38;
	[tilespmem:$0x1B000] =	vst v63  }
0x12: {  	_ =	swait.ge [sflag:s4], $0x2000  }
0x13: {  	[sflag:s4] =	ssyncset.done $0x0  }
0x14: {  	[sflag:s4] =	ssyncadd.s32 $0xFFFFE000  }
0x15: {  	[tilespmem:s9], [sflag:$0x1] =	stream.indirect.gather [hbm4b:s1+s8], $0x80, s3, s8, $0xb8;
	[tilespmem:$0x1B000] =	vst v63  }
0x16: {  	s5 =	simm.s32 $0x400;
	s2 =	simm.s32 $0x6000  }
0x17: {  	[tilespmem:s2], [sflag:$0x1] =	stream.indirect.gather [hbm4b:s1+s10], $0x80, s5, s10, $0xb8;
	[tilespmem:$0x1B000] =	vst v63  }
0x18: {  	s7 =	simm.s32 $0x480  }
0x19: {  	[tilespmem:s13], [sflag:$0x2] =	stream.indirect.gather [hbm4b:s1+s8], $0x80, s8, s8, $0xb8;
	[tilespmem:$0x1B000] =	vst v63  }
0x1a: {  	s11 =	simm.s32 $0xC400;
	s12 =	simm.s32 $0x100;
	p0 =	por $0x1, $0x1  }
0x1b: {  	[tilespmem:s11], [sflag:$0x2] =	stream.indirect.gather [hbm4b:s1+s10], $0x80, s7, s10, $0xb8;
	[tilespmem:$0x1B000] =	vst v63  }
0x1c: {  	s14 =	simm.s32 $0x500;
	s15 =	simm.s32 $0x12800;
	p0 =	por p0, p0  }
0x1d: {  	[tilespmem:s17], [sflag:$0x3] =	stream.indirect.gather [hbm4b:s1+s8], $0x80, s12, s8, $0xb8;
	[tilespmem:$0x1B000] =	vst v63  }
0x1e: {  	s16 =	sand.u32 $0x1800, s3;
	s0 =	simm.s32 @!p0 $0x8;
	s4 =	sand.u32 $0x7, s3  }
0x1f: {  	[tilespmem:s15], [sflag:$0x3] =	stream.indirect.gather [hbm4b:s1+s10], $0x80, s14, s10, $0xb8;
	[tilespmem:$0x1B000] =	vst v63  }
0x20: {  	s4 =	sshll.u32 s4, $0x7;
	s11 =	simm.s32 $0x180;
	_ =	swait.ge @!p0 [sflag:s0], $0x6400  }
0x21: {  	s4 =	sadd.s32 $0x180, s4;
	s11 =	sand.u32 $0x380, s11;
	[sflag:s0] =	ssyncset.done @!p0 $0x0  }
0x22: {  	s4 =	sadd.s32 $0x0, s4;
	s2 =	sor.u32 s11, s16;
	[sflag:s0] =	ssyncadd.s32 @!p0 $0xFFFF9C00  }
0x23: {  	[tilespmem:s21], [sflag:$0x4] =	stream.indirect.gather [hbm4b:s1+s8], $0x80, s2, s8, $0xb8;
	[tilespmem:$0x1B000] =	vst v63  }
0x24: {  	s19 =	sor.u32 $0x400, s4;
	s18 =	rddreg [dreg:$0x4]  }
0x25: {  	[tilespmem:s18], [sflag:$0x4] =	stream.indirect.gather [hbm4b:s1+s10], $0x80, s19, s10, $0xb8;
	[tilespmem:$0x1B000] =	vst v63  }
0x26: {  	_ =	swait.ge [sflag:s20], $0x4000  }
0x27: {  	p1 =	por $0x0, $0x0;
	[sflag:s20] =	ssyncset.done $0x0  }
0x28: {  	s4 =	simm.s32 @!p1 $0x400;
	s11 =	simm.s32 @!p1 $0x200;
	[sflag:s20] =	ssyncadd.s32 $0xFFFFC000  }
0x29: {  	s4 =	sand.u32 @!p1 $0x3800, s4;
	s11 =	sand.u32 @!p1 $0x200, s11;
	_ =	swait.ge [sflag:s20], $0x2400  }
0x2a: {  	p0 =	por $0x1, $0x1;
	s0 =	simm.s32 $0x1;
	[sflag:s20] =	ssyncset.done $0x0  }
0x2b: {  	s0 =	simm.s32 @!p0 $0x0;
	s2 =	simm.s32 @!p1 $0x5;
	[sflag:s20] =	ssyncadd.s32 $0xFFFFDC00  }
0x2c: {  	[hbm4b:s6+s3] =	stream.linear.scatter [tilespmem:s9], [sflag:$0x5], $0x6400, $0x38;
	[tilespmem:$0x1B000] =	vst v63  }
0x2d: {  	s4 =	sor.u32 @!p1 s11, s4;
	s0 =	sshll.u32 s0, $0x9;
	_ =	swait.ge @!p1 [sflag:s2], $0x6400  }
0x2e: {  	s11 =	simm.s32 @!p1 $0x2000;
	s0 =	sor.u32 $0x400, s0;
	[sflag:s2] =	ssyncset.done @!p1 $0x0  }
0x2f: {  	s0 =	sadd.s32 @!p1 $0x0, s0;
	[sflag:s2] =	ssyncadd.s32 @!p1 $0xFFFF9C00;
	s2 =	simm.s32 @!p1 $0x80  }
0x30: {  	[tilespmem:s11], [sflag:$0x1] =	stream.indirect.gather @!p1 [hbm4b:s1+s2], $0x80, s4, s2, $0xb8;
	[tilespmem:$0x1B000] =	vst v63  }
0x31: {  	s0 =	sor.u32 @!p1 $0x400, s0;
	s4 =	simm.s32 @!p1 $0x48;
	s11 =	simm.s32 @!p1 $0x6000  }
0x32: {  	[tilespmem:s11], [sflag:$0x1] =	stream.indirect.gather @!p1 [hbm4b:s1+s4], $0x80, s0, s4, $0xb8;
	[tilespmem:$0x1B000] =	vst v63  }
0x33: {  	_ =	swait.ge [sflag:s22], $0x4000  }
0x34: {  	[sflag:s22] =	ssyncset.done $0x0  }
0x35: {  	[sflag:s22] =	ssyncadd.s32 $0xFFFFC000  }
0x36: {  	_ =	swait.ge [sflag:s22], $0x2400  }
0x37: {  	[sflag:s22] =	ssyncset.done $0x0  }
0x38: {  	s25 =	sadd.s32 $0xC80, s6;
	s11 =	simm.s32 @!p1 $0x6;
	[sflag:s22] =	ssyncadd.s32 $0xFFFFDC00  }
0x39: {  	[hbm4b:s25+s3] =	stream.linear.scatter [tilespmem:s13], [sflag:$0x6], $0x6400, $0x38;
	[tilespmem:$0x1B000] =	vst v63  }
0x3a: {  	s12 =	simm.s32 @!p1 $0x280;
	s0 =	simm.s32 @!p1 $0x500;
	_ =	swait.ge @!p1 [sflag:s11], $0x6400  }
0x3b: {  	s12 =	sand.u32 @!p1 $0x280, s12;
	s0 =	sand.u32 @!p1 $0x3800, s0;
	[sflag:s11] =	ssyncset.done @!p1 $0x0  }
0x3c: {  	s0 =	sor.u32 @!p1 s12, s0;
	[sflag:s11] =	ssyncadd.s32 @!p1 $0xFFFF9C00;
	s11 =	simm.s32 @!p1 $0x8400  }
0x3d: {  	[tilespmem:s11], [sflag:$0x2] =	stream.indirect.gather @!p1 [hbm4b:s1+s2], $0x80, s0, s2, $0xb8;
	[tilespmem:$0x1B000] =	vst v63  }
0x3e: {  	s0 =	sor.u32 @!p1 $0x400, s0;
	s11 =	simm.s32 @!p1 $0xC400  }
0x3f: {  	[tilespmem:s11], [sflag:$0x2] =	stream.indirect.gather @!p1 [hbm4b:s1+s4], $0x80, s0, s4, $0xb8;
	[tilespmem:$0x1B000] =	vst v63  }
0x40: {  	s31 =	simm.s32 $0x400;
	p6 =	por $0x0, $0x0;
	_ =	swait.ge [sflag:s23], $0x4000  }
0x41: {  	s14 =	sadd.s32 $0x1900, s6;
	s15 =	simm.s32 @!p1 $0x7;
	[sflag:s23] =	ssyncset.done $0x0  }
0x42: {  	p2 =	por !p0, !p0;
	p0 =	por p6, p6;
	[sflag:s23] =	ssyncadd.s32 $0xFFFFC000  }
0x43: {  	s19 =	sadd.s32 $0x2580, s6;
	s12 =	simm.s32 $0x1;
	_ =	swait.ge [sflag:s23], $0x2400  }
0x44: {  	s18 =	simm.s32 @!p0 $0x8;
	s12 =	simm.s32 @!p2 $0x0;
	[sflag:s23] =	ssyncset.done $0x0  }
0x45: {  	s0 =	simm.s32 $0x300;
	s11 =	simm.s32 $0x800;
	[sflag:s23] =	ssyncadd.s32 $0xFFFFDC00  }
0x46: {  	[hbm4b:s14+s3] =	stream.linear.scatter [tilespmem:s17], [sflag:$0x7], $0x6400, $0x38;
	[tilespmem:$0x1B000] =	vst v63  }
0x47: {  	s14 =	sshll.u32 s12, $0x9;
	s12 =	simm.s32 @!p1 $0x600;
	_ =	swait.ge @!p1 [sflag:s15], $0x6400  }
0x48: {  	s0 =	sand.u32 @!p1 $0x300, s0;
	s12 =	sand.u32 @!p1 $0x3800, s12;
	[sflag:s15] =	ssyncset.done @!p1 $0x0  }
0x49: {  	s0 =	sor.u32 @!p1 s0, s12;
	s12 =	simm.s32 @!p1 $0xE800;
	[sflag:s15] =	ssyncadd.s32 @!p1 $0xFFFF9C00  }
0x4a: {  	[tilespmem:s12], [sflag:$0x3] =	stream.indirect.gather @!p1 [hbm4b:s1+s2], $0x80, s0, s2, $0xb8;
	[tilespmem:$0x1B000] =	vst v63  }
0x4b: {  	s0 =	sor.u32 @!p1 $0x400, s0;
	s2 =	simm.s32 @!p1 $0x12800;
	s12 =	simm.s32 $0x0  }
0x4c: {  	[tilespmem:s2], [sflag:$0x3] =	stream.indirect.gather @!p1 [hbm4b:s1+s4], $0x80, s0, s4, $0xb8;
	[tilespmem:$0x1B000] =	vst v63  }
0x4d: {  	s2 =	simm.s32 $0x500;
	p1 =	por !p2, !p2;
	_ =	swait.ge [sflag:s24], $0x4000  }
0x4e: {  	s0 =	sadd.s32 $0x3200, s6;
	s4 =	sand.u32 $0x1800, s31;
	[sflag:s24] =	ssyncset.done $0x0  }
.LBB2_2:
0x4f: {  	[sflag:s24] =	ssyncadd.s32 $0xFFFFC000  }
0x50: {  	_ =	swait.ge [sflag:s24], $0x2400  }
0x51: {  	s12 =	sadd.s32 $0x4, s12;
	[sflag:s24] =	ssyncset.done $0x0  }
0x52: {  	s5 =	sand.u32 $0x7, s12;
	[sflag:s24] =	ssyncadd.s32 $0xFFFFDC00  }
0x53: {  	[hbm4b:s19+s3] =	stream.linear.scatter [tilespmem:s21], [sflag:$0x8], $0x6400, $0x38;
	[tilespmem:$0x1B000] =	vst v63  }
0x54: {  	s7 =	sadd.s32 $0xFFFFFE80, s2;
	s5 =	sshll.u32 s5, $0x7;
	_ =	swait.ge @!p0 [sflag:s18], $0x6400  }
0x55: {  	s7 =	sand.u32 $0x380, s7;
	s5 =	sadd.s32 $0x180, s5;
	[sflag:s18] =	ssyncset.done @!p0 $0x0  }
0x56: {  	s4 =	sor.u32 s7, s4;
	s5 =	sadd.s32 s5, s31;
	[sflag:s18] =	ssyncadd.s32 @!p0 $0xFFFF9C00  }
0x57: {  	[tilespmem:s21], [sflag:$0x4] =	stream.indirect.gather [hbm4b:s1+s8], $0x80, s4, s8, $0xb8;
	[tilespmem:$0x1B000] =	vst v63  }
0x58: {  	s19 =	sor.u32 $0x400, s5;
	s18 =	rddreg [dreg:$0x4]  }
0x59: {  	[tilespmem:s18], [sflag:$0x4] =	stream.indirect.gather [hbm4b:s1+s10], $0x80, s19, s10, $0xb8;
	[tilespmem:$0x1B000] =	vst v63  }
0x5a: {  	_ =	swait.ge [sflag:s20], $0x4000  }
0x5b: {  	p3 =	seq.s32 s11, $0x0;
	s16 =	simm.s32 $0x1;
	[sflag:s20] =	ssyncset.done $0x0  }
0x5c: {  	p0 =	por p3, p3;
	p3 =	seq.s32 s31, $0x1C00;
	[sflag:s20] =	ssyncadd.s32 $0xFFFFC000  }
0x5d: {  	s4 =	sor.u32 $0x400, s14;
	s5 =	simm.s32 @!p3 $0x5;
	_ =	swait.ge [sflag:s20], $0x2400  }
0x5e: {  	s7 =	sadd.s32 @!p3 $0x400, s31;
	s14 =	sadd.s32 @!p3 $0xFFFFFF00, s2;
	[sflag:s20] =	ssyncset.done $0x0  }
0x5f: {  	s7 =	sand.u32 @!p3 $0x3800, s7;
	s14 =	sand.u32 @!p3 $0x200, s14;
	[sflag:s20] =	ssyncadd.s32 $0xFFFFDC00  }
0x60: {  	[hbm4b:s0+s3] =	stream.linear.scatter [tilespmem:s9], [sflag:$0x5], $0x6400, $0x38;
	[tilespmem:$0x1B000] =	vst v63  }
0x61: {  	s4 =	sadd.s32 @!p3 s4, s31;
	s7 =	sor.u32 @!p3 s14, s7;
	_ =	swait.ge @!p3 [sflag:s5], $0x6400  }
0x62: {  	s4 =	sor.u32 @!p3 $0x400, s4;
	s18 =	sadd.s32 @!p3 $0xFFFFFF80, s2;
	[sflag:s5] =	ssyncset.done @!p3 $0x0  }
0x63: {  	s19 =	simm.s32 @!p3 $0x80;
	[sflag:s5] =	ssyncadd.s32 @!p3 $0xFFFF9C00;
	s5 =	simm.s32 @!p3 $0x2000  }
0x64: {  	[tilespmem:s5], [sflag:$0x1] =	stream.indirect.gather @!p3 [hbm4b:s1+s19], $0x80, s7, s19, $0xb8;
	[tilespmem:$0x1B000] =	vst v63  }
0x65: {  	s25 =	sand.u32 @!p3 $0x280, s18;
	s18 =	simm.s32 @!p3 $0x48;
	s5 =	simm.s32 @!p3 $0x6000  }
0x66: {  	[tilespmem:s5], [sflag:$0x1] =	stream.indirect.gather @!p3 [hbm4b:s1+s18], $0x80, s4, s18, $0xb8;
	[tilespmem:$0x1B000] =	vst v63  }
0x67: {  	s16 =	simm.s32 @!p1 $0x0;
	s14 =	sadd.s32 @!p3 $0x500, s31;
	_ =	swait.ge [sflag:s22], $0x4000  }
0x68: {  	s16 =	sshll.u32 s16, $0x9;
	s14 =	sand.u32 @!p3 $0x3800, s14;
	[sflag:s22] =	ssyncset.done $0x0  }
0x69: {  	s7 =	sor.u32 @!p3 s25, s14;
	s5 =	sadd.s32 @!p3 $0x600, s31;
	[sflag:s22] =	ssyncadd.s32 $0xFFFFC000  }
0x6a: {  	s14 =	sand.u32 @!p3 $0x300, s2;
	s5 =	sand.u32 @!p3 $0x3800, s5;
	_ =	swait.ge [sflag:s22], $0x2400  }
0x6b: {  	s25 =	simm.s32 @!p3 $0x6;
	s5 =	sor.u32 @!p3 s14, s5;
	[sflag:s22] =	ssyncset.done $0x0  }
0x6c: {  	s14 =	smov.u32 s16;
	s16 =	sadd.s32 $0xC80, s0;
	[sflag:s22] =	ssyncadd.s32 $0xFFFFDC00  }
0x6d: {  	[hbm4b:s16+s3] =	stream.linear.scatter [tilespmem:s13], [sflag:$0x6], $0x6400, $0x38;
	[tilespmem:$0x1B000] =	vst v63  }
0x6e: {  	_ =	swait.ge @!p3 [sflag:s25], $0x6400  }
0x6f: {  	[sflag:s25] =	ssyncset.done @!p3 $0x0  }
0x70: {  	s16 =	simm.s32 @!p3 $0x8400;
	[sflag:s25] =	ssyncadd.s32 @!p3 $0xFFFF9C00  }
0x71: {  	[tilespmem:s16], [sflag:$0x2] =	stream.indirect.gather @!p3 [hbm4b:s1+s19], $0x80, s7, s19, $0xb8;
	[tilespmem:$0x1B000] =	vst v63  }
0x72: {  	s4 =	sor.u32 @!p3 $0x400, s7;
	s7 =	simm.s32 @!p3 $0xC400  }
0x73: {  	[tilespmem:s7], [sflag:$0x2] =	stream.indirect.gather @!p3 [hbm4b:s1+s18], $0x80, s4, s18, $0xb8;
	[tilespmem:$0x1B000] =	vst v63  }
0x74: {  	_ =	swait.ge [sflag:s23], $0x4000  }
0x75: {  	[sflag:s23] =	ssyncset.done $0x0  }
0x76: {  	[sflag:s23] =	ssyncadd.s32 $0xFFFFC000  }
0x77: {  	_ =	swait.ge [sflag:s23], $0x2400  }
0x78: {  	[sflag:s23] =	ssyncset.done $0x0  }
0x79: {  	s25 =	sadd.s32 $0x1900, s0;
	s7 =	simm.s32 @!p3 $0x7;
	[sflag:s23] =	ssyncadd.s32 $0xFFFFDC00  }
0x7a: {  	[hbm4b:s25+s3] =	stream.linear.scatter [tilespmem:s17], [sflag:$0x7], $0x6400, $0x38;
	[tilespmem:$0x1B000] =	vst v63  }
0x7b: {  	_ =	swait.ge @!p3 [sflag:s7], $0x6400  }
0x7c: {  	s15 =	smov.u32 s11;
	s11 =	sadd.s32 $0x400, s11;
	[sflag:s7] =	ssyncset.done @!p3 $0x0  }
0x7d: {  	p2 =	sne.s32 s11, $0x2000;
	s4 =	simm.s32 @!p3 $0xE800;
	[sflag:s7] =	ssyncadd.s32 @!p3 $0xFFFF9C00  }
0x7e: {  	[tilespmem:s4], [sflag:$0x3] =	stream.indirect.gather @!p3 [hbm4b:s1+s19], $0x80, s5, s19, $0xb8;
	[tilespmem:$0x1B000] =	vst v63  }
.Ltmp0:
0x7f: {  	p1 =	por !p1, !p1;
	s2 =	sadd.s32 $0x200, s2;
	(pc) =	sbr.rel @p2 .LBB2_2-.Ltmp0, $4  }
0x80: {  	s31 =	smov.u32 s15;
	s15 =	sor.u32 @!p3 $0x400, s5;
	s4 =	simm.s32 @!p3 $0x12800  }
0x81: {  	[tilespmem:s4], [sflag:$0x3] =	stream.indirect.gather @!p3 [hbm4b:s1+s18], $0x80, s15, s18, $0xb8;
	[tilespmem:$0x1B000] =	vst v63  }
0x82: {  	s19 =	sadd.s32 $0x2580, s0;
	s0 =	sadd.s32 $0x3200, s0;
	_ =	swait.ge [sflag:s24], $0x4000  }
0x83: {  	s18 =	simm.s32 @!p0 $0x8;
	s4 =	sand.u32 $0x1800, s31;
	[sflag:s24] =	ssyncset.done $0x0  }
0x84: {  	[sflag:s24] =	ssyncadd.s32 $0xFFFFC000  }
0x85: {  	_ =	swait.ge [sflag:s24], $0x2400  }
0x86: {  	s5 =	sadd.s32 $0x4, s12;
	[sflag:s24] =	ssyncset.done $0x0  }
0x87: {  	s5 =	sand.u32 $0x7, s5;
	[sflag:s24] =	ssyncadd.s32 $0xFFFFDC00  }
0x88: {  	[hbm4b:s19+s3] =	stream.linear.scatter [tilespmem:s21], [sflag:$0x8], $0x6400, $0x38;
	[tilespmem:$0x1B000] =	vst v63  }
0x89: {  	s7 =	sadd.s32 $0xFFFFFE80, s2;
	s5 =	sshll.u32 s5, $0x7;
	_ =	swait.ge @!p0 [sflag:s18], $0x6400  }
0x8a: {  	s7 =	sand.u32 $0x380, s7;
	s5 =	sadd.s32 $0x180, s5;
	[sflag:s18] =	ssyncset.done @!p0 $0x0  }
0x8b: {  	s4 =	sor.u32 s7, s4;
	s5 =	sadd.s32 s5, s31;
	[sflag:s18] =	ssyncadd.s32 @!p0 $0xFFFF9C00  }
0x8c: {  	[tilespmem:s21], [sflag:$0x4] =	stream.indirect.gather [hbm4b:s1+s8], $0x80, s4, s8, $0xb8;
	[tilespmem:$0x1B000] =	vst v63  }
0x8d: {  	s15 =	sor.u32 $0x400, s5;
	s12 =	rddreg [dreg:$0x4]  }
0x8e: {  	[tilespmem:s12], [sflag:$0x4] =	stream.indirect.gather [hbm4b:s1+s10], $0x80, s15, s10, $0xb8;
	[tilespmem:$0x1B000] =	vst v63  }
0x8f: {  	_ =	swait.ge [sflag:s20], $0x4000  }
0x90: {  	[sflag:s20] =	ssyncset.done $0x0  }
0x91: {  	[sflag:s20] =	ssyncadd.s32 $0xFFFFC000  }
0x92: {  	p0 =	seq.s32 s31, $0x1C00;
	_ =	swait.ge [sflag:s20], $0x2400  }
0x93: {  	s4 =	sor.u32 $0x400, s14;
	s5 =	simm.s32 @!p0 $0x5;
	[sflag:s20] =	ssyncset.done $0x0  }
0x94: {  	s7 =	sadd.s32 @!p0 $0x400, s31;
	s11 =	sadd.s32 @!p0 $0xFFFFFF00, s2;
	[sflag:s20] =	ssyncadd.s32 $0xFFFFDC00  }
0x95: {  	[hbm4b:s0+s3] =	stream.linear.scatter [tilespmem:s9], [sflag:$0x5], $0x6400, $0x38;
	[tilespmem:$0x1B000] =	vst v63  }
0x96: {  	s7 =	sand.u32 @!p0 $0x3800, s7;
	s11 =	sand.u32 @!p0 $0x200, s11;
	_ =	swait.ge @!p0 [sflag:s5], $0x6400  }
0x97: {  	s4 =	sadd.s32 @!p0 s4, s31;
	s7 =	sor.u32 @!p0 s11, s7;
	[sflag:s5] =	ssyncset.done @!p0 $0x0  }
0x98: {  	s11 =	simm.s32 @!p0 $0x2000;
	[sflag:s5] =	ssyncadd.s32 @!p0 $0xFFFF9C00;
	s5 =	simm.s32 @!p0 $0x80  }
0x99: {  	[tilespmem:s11], [sflag:$0x1] =	stream.indirect.gather @!p0 [hbm4b:s1+s5], $0x80, s7, s5, $0xb8;
	[tilespmem:$0x1B000] =	vst v63  }
0x9a: {  	s4 =	sor.u32 @!p0 $0x400, s4;
	s7 =	simm.s32 @!p0 $0x48;
	s11 =	simm.s32 @!p0 $0x6000  }
0x9b: {  	[tilespmem:s11], [sflag:$0x1] =	stream.indirect.gather @!p0 [hbm4b:s1+s7], $0x80, s4, s7, $0xb8;
	[tilespmem:$0x1B000] =	vst v63  }
0x9c: {  	_ =	swait.ge [sflag:s22], $0x4000  }
0x9d: {  	[sflag:s22] =	ssyncset.done $0x0  }
0x9e: {  	[sflag:s22] =	ssyncadd.s32 $0xFFFFC000  }
0x9f: {  	_ =	swait.ge [sflag:s22], $0x2400  }
0xa0: {  	[sflag:s22] =	ssyncset.done $0x0  }
0xa1: {  	s16 =	sadd.s32 $0xC80, s0;
	s11 =	simm.s32 @!p0 $0x6;
	[sflag:s22] =	ssyncadd.s32 $0xFFFFDC00  }
0xa2: {  	[hbm4b:s16+s3] =	stream.linear.scatter [tilespmem:s13], [sflag:$0x6], $0x6400, $0x38;
	[tilespmem:$0x1B000] =	vst v63  }
0xa3: {  	s12 =	sadd.s32 @!p0 $0xFFFFFF80, s2;
	s4 =	sadd.s32 @!p0 $0x500, s31;
	_ =	swait.ge @!p0 [sflag:s11], $0x6400  }
0xa4: {  	s12 =	sand.u32 @!p0 $0x280, s12;
	s4 =	sand.u32 @!p0 $0x3800, s4;
	[sflag:s11] =	ssyncset.done @!p0 $0x0  }
0xa5: {  	s4 =	sor.u32 @!p0 s12, s4;
	[sflag:s11] =	ssyncadd.s32 @!p0 $0xFFFF9C00;
	s11 =	simm.s32 @!p0 $0x8400  }
0xa6: {  	[tilespmem:s11], [sflag:$0x2] =	stream.indirect.gather @!p0 [hbm4b:s1+s5], $0x80, s4, s5, $0xb8;
	[tilespmem:$0x1B000] =	vst v63  }
0xa7: {  	s4 =	sor.u32 @!p0 $0x400, s4;
	s11 =	simm.s32 @!p0 $0xC400  }
0xa8: {  	[tilespmem:s11], [sflag:$0x2] =	stream.indirect.gather @!p0 [hbm4b:s1+s7], $0x80, s4, s7, $0xb8;
	[tilespmem:$0x1B000] =	vst v63  }
0xa9: {  	_ =	swait.ge [sflag:s23], $0x4000  }
0xaa: {  	[sflag:s23] =	ssyncset.done $0x0  }
0xab: {  	[sflag:s23] =	ssyncadd.s32 $0xFFFFC000  }
0xac: {  	_ =	swait.ge [sflag:s23], $0x2400  }
0xad: {  	[sflag:s23] =	ssyncset.done $0x0  }
0xae: {  	s18 =	sadd.s32 $0x1900, s0;
	s4 =	simm.s32 @!p0 $0x7;
	[sflag:s23] =	ssyncadd.s32 $0xFFFFDC00  }
0xaf: {  	[hbm4b:s18+s3] =	stream.linear.scatter [tilespmem:s17], [sflag:$0x7], $0x6400, $0x38;
	[tilespmem:$0x1B000] =	vst v63  }
0xb0: {  	s11 =	sadd.s32 @!p0 $0x600, s31;
	_ =	swait.ge @!p0 [sflag:s4], $0x6400  }
0xb1: {  	s2 =	sand.u32 @!p0 $0x300, s2;
	s11 =	sand.u32 @!p0 $0x3800, s11;
	[sflag:s4] =	ssyncset.done @!p0 $0x0  }
0xb2: {  	s2 =	sor.u32 @!p0 s2, s11;
	[sflag:s4] =	ssyncadd.s32 @!p0 $0xFFFF9C00;
	s4 =	simm.s32 @!p0 $0xE800  }
0xb3: {  	[tilespmem:s4], [sflag:$0x3] =	stream.indirect.gather @!p0 [hbm4b:s1+s5], $0x80, s2, s5, $0xb8;
	[tilespmem:$0x1B000] =	vst v63  }
0xb4: {  	s2 =	sor.u32 @!p0 $0x400, s2;
	s4 =	simm.s32 @!p0 $0x12800  }
0xb5: {  	[tilespmem:s4], [sflag:$0x3] =	stream.indirect.gather @!p0 [hbm4b:s1+s7], $0x80, s2, s7, $0xb8;
	[tilespmem:$0x1B000] =	vst v63  }
0xb6: {  	_ =	swait.ge [sflag:s24], $0x4000  }
0xb7: {  	[sflag:s24] =	ssyncset.done $0x0  }
0xb8: {  	[sflag:s24] =	ssyncadd.s32 $0xFFFFC000  }
0xb9: {  	_ =	swait.ge [sflag:s24], $0x2400  }
0xba: {  	[sflag:s24] =	ssyncset.done $0x0  }
0xbb: {  	s25 =	simm.s32 $0x5;
	s19 =	sadd.s32 $0x2580, s0;
	[sflag:s24] =	ssyncadd.s32 $0xFFFFDC00  }
0xbc: {  	[hbm4b:s19+s3] =	stream.linear.scatter [tilespmem:s21], [sflag:$0x8], $0x6400, $0x38;
	[tilespmem:$0x1B000] =	vst v63  }
0xbd: {  	_ =	swait.ge [sflag:s25], $0x6400  }
0xbe: {  	[sflag:s25] =	ssyncset.done $0x0  }
0xbf: {  	[sflag:s25] =	ssyncadd.s32 $0xFFFF9C00  }
0xc0: {  	_ =	swait.ge [sflag:s26], $0x6400  }
0xc1: {  	[sflag:s26] =	ssyncset.done $0x0  }
0xc2: {  	[sflag:s26] =	ssyncadd.s32 $0xFFFF9C00  }
0xc3: {  	_ =	swait.ge [sflag:s28], $0x6400  }
0xc4: {  	[sflag:s28] =	ssyncset.done $0x0  }
0xc5: {  	[sflag:s28] =	ssyncadd.s32 $0xFFFF9C00  }
0xc6: {  	_ =	swait.ge [sflag:s29], $0x6400  }
0xc7: {  	s30 =	sadd.s32 $0x1, s30;
	s31 =	rddreg [dreg:$0x6]  }
0xc8: {  	p0 =	sne.s32 s30, s31  }
.Ltmp1:
0xc9: {  	_ = 	snop;
	(pc) =	sbr.rel @p0 .LBB2_1-.Ltmp1, $3  }
0xca: {  	_ =	sdelay $0x1  }
0xcb: {  	[sflag:s29] =	ssyncset.done $0x0  }
0xcc: {  	[sflag:s29] =	ssyncadd.s32 $0xFFFF9C00  }
0xcd: {  	_ =	sfence.sel $0x180000  }
0xce: {  	[bflag:$0x0] =	sbarrier.arrive $0xFFFF  }
0xcf: {  	_ =	strace $0x90000047  }
0xd0: {  	s0 =	stileid.u32;
	[bflag:$0x2] =	sbarrier.arrive $0xFFFF  }
0xd1: {  	p0 =	sne.s32 s0, $0x0;
	s0 =	rddreg [dreg:$0x3]  }
0xd2: {  	s0 =	sadd.s32 @!p0 $0x100000, s0  }
0xd3: {  	[sflag:s0] =	ssyncadd.tile.s32 @!p0 $0x1;
	_ =	shalt  }
.Lfunc_end2:
_tile_overlayer_lowered:
.L_overlay_start_2:
0xd4: {  	(tag) =	ssettag $0x2  }
0xd5: {  	s0 =	rddreg [dreg:$0x0];
	s2 =	stileid.u32  }
0xd6: {  	s1 =	rddreg [dreg:$0x1];
	p0 =	sne.s32 s2, $0x0  }
0xd7: {  	s3 =	rddreg [dreg:$0x2];
	[bflag:$0x3] =	sbarrier.arrive $0xFFFF;
	s2 =	simm.s32 @!p0 $0x1C09  }
0xd8: {  	[timem:s3], [sflag:s2] =	dma.local @!p0 [hbm:s0], s1  }
0xd9: {  	s0 =	simm.s32 @!p0 $0x9  }
0xda: {  	_ =	swait.ge @!p0 [sflag:s0], s1  }
0xdb: {  	s1 =	ssub.s32 @!p0 $0x0, s1;
	[sflag:s0] =	ssyncset.done @!p0 $0x0  }
0xdc: {  	[sflag:s0] =	ssyncadd.s32 @!p0 s1  }
0xdd: {  	[bflag:$0x3] =	sbarrier.arrive $0xFFFF  }
0xde: {  	_ =	shalt  }

</sc_bundles>
